<compile_context>
chip_gen: v7x
topology: tpu7x:2x2x1
jax: 0.10.2.dev20260603
libtpu: 0.0.44.dev20260713+nightly
codegen_flags: <defaults>
</compile_context>

<pallas_src>
import functools

import jax
import jax.numpy as jnp
from jax import lax
from jax.experimental import pallas as pl
from jax.experimental.pallas import tpu as pltpu
from jax.experimental.pallas import tpu_sc as plsc

N = 10000
E = 160000
C = 128
H1 = 32
BXW = H1 + C
CH = 128
NCH = E // CH

_info = plsc.get_sparse_core_info()
_NC = _info.num_cores
_NS = _info.num_subcores
_NW = _NC * _NS
_RPT = 624
_TAIL = N - _RPT * _NS



def _gather(x, src, dst):
    mesh = plsc.VectorSubcoreMesh(core_axis_name="c", subcore_axis_name="s")

    @functools.partial(
        pl.kernel,
        mesh=mesh,
        out_type=(
            jax.ShapeDtypeStruct((E, C), jnp.float32),
            jax.ShapeDtypeStruct((E, C), jnp.float32),
        ),
        scratch_types=[
            pltpu.VMEM((CH,), jnp.int32),
            pltpu.VMEM((CH,), jnp.int32),
            pltpu.VMEM((CH, C), jnp.float32),
            pltpu.VMEM((CH, C), jnp.float32),
            pltpu.SemaphoreType.DMA,
            pltpu.SemaphoreType.DMA,
        ],
    )
    def gk(x_hbm, src_hbm, dst_hbm, xi_hbm, xj_hbm,
           si, di, xir, xjr, sem_a, sem_b):
        cid = lax.axis_index("c")
        sid = lax.axis_index("s")
        wid = sid * _NC + cid
        nch = 39 + jnp.where(wid < (NCH - 39 * _NW), 1, 0)

        def body(k, carry):
            off = (wid + k * _NW) * CH
            pltpu.sync_copy(src_hbm.at[pl.ds(off, CH)], si)
            pltpu.sync_copy(dst_hbm.at[pl.ds(off, CH)], di)
            ca = pltpu.async_copy(x_hbm.at[si], xir, sem_a)
            cb = pltpu.async_copy(x_hbm.at[di], xjr, sem_b)
            ca.wait()
            cb.wait()
            pltpu.sync_copy(xir, xi_hbm.at[pl.ds(off, CH)])
            pltpu.sync_copy(xjr, xj_hbm.at[pl.ds(off, CH)])
            return carry

        lax.fori_loop(0, nch, body, 0)

    return gk(x, src, dst)



def _edge_body(xi_ref, xj_ref, attr_ref, rsh_ref,
               wa_ref, wb_ref, bs1_ref, ws2_ref, bs2_ref,
               wr1_ref, br1_ref, wr2_ref, br2_ref,
               msg_ref):
    xi = xi_ref[...]
    xj = xj_ref[...]
    h = jax.nn.silu(
        jnp.dot(xi, wa_ref[...], preferred_element_type=jnp.float32)
        + jnp.dot(xj, wb_ref[...], preferred_element_type=jnp.float32)
        + bs1_ref[...])
    ws = jnp.dot(h, ws2_ref[...], preferred_element_type=jnp.float32) + bs2_ref[...]
    hr = jax.nn.silu(
        jnp.dot(attr_ref[...], wr1_ref[...], preferred_element_type=jnp.float32)
        + br1_ref[...])
    wr = jnp.dot(hr, wr2_ref[...], preferred_element_type=jnp.float32) + br2_ref[...]
    tw = ws * wr
    rsh = rsh_ref[...]
    mv = tw[:, C:] * xj
    msg_ref[0] = tw[:, :C] * xj * rsh[:, 0:1]
    msg_ref[1] = mv * rsh[:, 1:2]
    msg_ref[2] = mv * rsh[:, 2:3]
    msg_ref[3] = mv * rsh[:, 3:4]


def _edge_mlp(xi, xj, edge_attr, edge_rsh, Ws1, bs1, Ws2, bs2, Wr1, br1, Wr2, br2):
    BE = 2000
    WN = 2 * C
    return pl.pallas_call(
        _edge_body,
        grid=(E // BE,),
        in_specs=[
            pl.BlockSpec((BE, C), lambda i: (i, 0)),
            pl.BlockSpec((BE, C), lambda i: (i, 0)),
            pl.BlockSpec((BE, 16), lambda i: (i, 0)),
            pl.BlockSpec((BE, 4), lambda i: (i, 0)),
            pl.BlockSpec((C, H1), lambda i: (0, 0)),
            pl.BlockSpec((C, H1), lambda i: (0, 0)),
            pl.BlockSpec((1, H1), lambda i: (0, 0)),
            pl.BlockSpec((H1, WN), lambda i: (0, 0)),
            pl.BlockSpec((1, WN), lambda i: (0, 0)),
            pl.BlockSpec((16, H1), lambda i: (0, 0)),
            pl.BlockSpec((1, H1), lambda i: (0, 0)),
            pl.BlockSpec((H1, WN), lambda i: (0, 0)),
            pl.BlockSpec((1, WN), lambda i: (0, 0)),
        ],
        out_specs=pl.BlockSpec((4, BE, C), lambda i: (0, i, 0)),
        out_shape=jax.ShapeDtypeStruct((4, E, C), jnp.float32),
    )(xi, xj, edge_attr, edge_rsh,
      Ws1[:C], Ws1[C:], bs1.reshape(1, H1), Ws2, bs2.reshape(1, WN),
      Wr1, br1.reshape(1, H1), Wr2, br2.reshape(1, WN))



def _scatter_add(msg4, src, zeros):
    mesh = plsc.VectorSubcoreMesh(core_axis_name="c", subcore_axis_name="s")

    @functools.partial(
        pl.kernel,
        mesh=mesh,
        out_type=jax.ShapeDtypeStruct((4, N, C), jnp.float32),
        scratch_types=[
            pltpu.VMEM((1, CH), jnp.int32),
            pltpu.VMEM((CH, C), jnp.float32),
            pltpu.VMEM_SHARED((N, C), jnp.float32),
        ],
    )
    def sk(msg_hbm, src_hbm, zeros_hbm, accu_hbm, idx2, buf, acc_sh):
        cid = lax.axis_index("c")
        sid = lax.axis_index("s")
        rbase = sid * _RPT
        for gi in range(2):
            g = cid * 2 + gi
            pltpu.sync_copy(zeros_hbm.at[pl.ds(rbase, _RPT)],
                            acc_sh.at[pl.ds(rbase, _RPT)])

            @pl.when(sid == _NS - 1)
            def _zero_tail():
                pltpu.sync_copy(zeros_hbm.at[pl.ds(_RPT * _NS, _TAIL)],
                                acc_sh.at[pl.ds(_RPT * _NS, _TAIL)])

            plsc.subcore_barrier()
            nch = 78 + jnp.where(sid < (NCH - 78 * _NS), 1, 0)

            def body(k, carry):
                off = (sid + k * _NS) * CH
                pltpu.sync_copy(src_hbm.at[pl.ds(off, CH)], idx2.at[0])
                pltpu.sync_copy(msg_hbm.at[g, pl.ds(off, CH), :], buf)
                pltpu.sync_copy(buf, acc_sh.at[idx2.at[0]], add=True)
                return carry

            lax.fori_loop(0, nch, body, 0)
            plsc.subcore_barrier()
            pltpu.sync_copy(acc_sh.at[pl.ds(rbase, _RPT)],
                            accu_hbm.at[g, pl.ds(rbase, _RPT), :])

            @pl.when(sid == _NS - 1)
            def _write_tail():
                pltpu.sync_copy(acc_sh.at[pl.ds(_RPT * _NS, _TAIL)],
                                accu_hbm.at[g, pl.ds(_RPT * _NS, _TAIL), :])

            plsc.subcore_barrier()

    return sk(msg4, src, zeros)



def _final_body(accu_ref, wls_ref, bls_ref, wlv_ref, outs_ref, outv_ref):
    outs_ref[...] = (
        jnp.dot(accu_ref[0], wls_ref[...], preferred_element_type=jnp.float32)
        + bls_ref[...])
    for i in range(3):
        outv_ref[i] = jnp.dot(accu_ref[1 + i], wlv_ref[...],
                              preferred_element_type=jnp.float32)


def _final(accu, Wl_s, bl_s, Wl_v):
    BN = 2000
    return pl.pallas_call(
        _final_body,
        grid=(N // BN,),
        in_specs=[
            pl.BlockSpec((4, BN, C), lambda i: (0, i, 0)),
            pl.BlockSpec((C, C), lambda i: (0, 0)),
            pl.BlockSpec((1, C), lambda i: (0, 0)),
            pl.BlockSpec((C, C), lambda i: (0, 0)),
        ],
        out_specs=[
            pl.BlockSpec((BN, C), lambda i: (i, 0)),
            pl.BlockSpec((3, BN, C), lambda i: (0, i, 0)),
        ],
        out_shape=[
            jax.ShapeDtypeStruct((N, C), jnp.float32),
            jax.ShapeDtypeStruct((3, N, C), jnp.float32),
        ],
    )(accu, Wl_s, bl_s.reshape(1, C), Wl_v)


def kernel(node_feat, edge_attr, edge_rsh, edge_index, Ws1, bs1, Ws2, bs2,
           Wr1, br1, Wr2, br2, Wl_s, bl_s, Wl_v):
    src = edge_index[0]
    dst = edge_index[1]
    xi, xj = _gather(node_feat, src, dst)
    msg4 = _edge_mlp(xi, xj, edge_attr, edge_rsh,
                     Ws1, bs1, Ws2, bs2, Wr1, br1, Wr2, br2)
    zeros = jnp.zeros((N, C), jnp.float32)
    accu = _scatter_add(msg4, src, zeros)
    out_s, out_v = _final(accu, Wl_s, bl_s, Wl_v)
    out_vec = jnp.transpose(out_v, (1, 2, 0)).reshape(N, 3 * C)
    return jnp.concatenate([out_s, out_vec], axis=-1)

# --- scband reference (transcript-rebuilt; emitter-appended) ---
"""Pipeline reference for scband-nodewise-interaction-29154238005850 (READ-ONLY COPY).

The authoritative reference and input builder live on the scoring server;
editing this copy changes nothing except your own understanding.
"""

import jax, jax.numpy as jnp
import numpy as np

N = 10000
E = 160000
C = 128  # node channels, irreps_node_in = 128x0e
EDGE_ATTR_DIM = 16
WN = 2 * C  # tp.weight_numel: two uvu paths (0e x 0e -> 0e, 0e x 1o -> 1o), 128 weights each


def _lin_init(k, fan_in, fan_out):
    # fold torch/e3nn fan-in normalization into the weight init
    return jax.random.normal(k, (fan_in, fan_out), dtype=jnp.float32) / np.sqrt(fan_in)


def setup_inputs(seed: int = 0) -> dict:
    key = jax.random.key(seed)
    ks = jax.random.split(key, 16)
    inp = {}
    inp["node_feat"] = jax.random.normal(ks[0], (N, C), dtype=jnp.float32)
    inp["edge_attr"] = jax.random.normal(ks[1], (E, EDGE_ATTR_DIM), dtype=jnp.float32)
    inp["edge_rsh"] = jax.random.normal(ks[2], (E, 4), dtype=jnp.float32)  # sh l=0..1
    inp["edge_index"] = jax.random.randint(ks[3], (2, E), 0, N, dtype=jnp.int32)
    # mlp_edge_scalar: Linear(256 -> 32) -> silu -> Linear(32 -> 256)
    inp["Ws1"] = _lin_init(ks[4], 2 * C, 32)
    inp["bs1"] = jnp.zeros((32,), dtype=jnp.float32)
    inp["Ws2"] = _lin_init(ks[5], 32, WN)
    inp["bs2"] = jnp.zeros((WN,), dtype=jnp.float32)
    # mlp_edge_rbf: Linear(16 -> 32) -> silu -> Linear(32 -> 256)
    inp["Wr1"] = _lin_init(ks[6], EDGE_ATTR_DIM, 32)
    inp["br1"] = jnp.zeros((32,), dtype=jnp.float32)
    inp["Wr2"] = _lin_init(ks[7], 32, WN)
    inp["br2"] = jnp.zeros((WN,), dtype=jnp.float32)
    # lin_node2: o3.Linear on 128x0e+128x1o (bias only on scalars)
    inp["Wl_s"] = _lin_init(ks[8], C, C)
    inp["bl_s"] = jnp.zeros((C,), dtype=jnp.float32)
    inp["Wl_v"] = _lin_init(ks[9], C, C)
    return inp


def reference(node_feat, edge_attr, edge_rsh, edge_index, Ws1, bs1, Ws2, bs2, Wr1, br1, Wr2, br2, Wl_s, bl_s, Wl_v):
    # first-layer path: irreps_node_in != irreps_node_out -> not_first_layer == False
    src = edge_index[0]
    dst = edge_index[1]
    x = node_feat  # [N, 128] scalars only (128x0e)
    x_i = jnp.take(x, src, axis=0)  # gather [E, 128]
    x_j = jnp.take(x, dst, axis=0)  # gather [E, 128]
    # EquivariantDot on 128x0e: per-channel product; first num_scalar entries are the
    # scalar dots, the [:, C:] slice is empty (no higher-l irreps in the input)
    inner = x_i * x_j
    s0 = jnp.concatenate([x_i[:, :C], x_j[:, :C], inner[:, C:]], axis=-1)  # [E, 256]
    w_scalar = jax.nn.silu(s0 @ Ws1 + bs1) @ Ws2 + bs2          # [E, 256]
    w_rbf = jax.nn.silu(edge_attr @ Wr1 + br1) @ Wr2 + br2      # [E, 256]
    tp_w = w_scalar * w_rbf                                      # per-edge TP weights
    # TensorProduct(128x0e, 1x0e+1x1o -> 128x0e+128x1o, mode uvu, external weights)
    y0 = edge_rsh[:, 0:1]   # [E, 1]
    y1 = edge_rsh[:, 1:4]   # [E, 3]
    out_s = tp_w[:, :C] * x_j * y0                               # [E, 128]
    out_v = (tp_w[:, C:] * x_j)[:, :, None] * y1[:, None, :]     # [E, 128, 3]
    msg = jnp.concatenate([out_s, out_v.reshape(out_v.shape[0], 3 * C)], axis=-1)  # [E, 512]
    # scatter-add messages to destination index edge_index[0]
    accu = jax.ops.segment_sum(msg, src, num_segments=x.shape[0])  # [N, 512]
    # lin_node2 (equivariant linear, bias on scalar block only, shared weight per vector component)
    out_s2 = accu[:, :C] @ Wl_s + bl_s
    acc_v = accu[:, C:].reshape(-1, C, 3)
    out_v2 = jnp.einsum('nui,uv->nvi', acc_v, Wl_v)
    return jnp.concatenate([out_s2, out_v2.reshape(-1, 3 * C)], axis=-1)  # [N, 512]

if __name__ == "__main__":
    import jax
    _d = setup_inputs()
    print(jax.jit(kernel)(*tuple(_d.values())))

</pallas_src>

<mosaic_0001>
#map = affine_map<(d0, d1) -> (0, 0, 0)>
#map1 = affine_map<(d0, d1) -> (0)>
#map2 = affine_map<(d0, d1) -> (0, 0)>
module attributes {stable_mosaic.version = 14 : i64} {
  func.func @sk(%arg0: i32, %arg1: i32, %arg2: memref<4x160000x128xf32, #tpu.memory_space<hbm>>, %arg3: memref<160000xi32, #tpu.memory_space<hbm>>, %arg4: memref<10000x128xf32, #tpu.memory_space<hbm>>, %arg5: memref<4x10000x128xf32, #tpu.memory_space<hbm>>, %arg6: memref<1x128xi32, #tpu.memory_space<vmem>>, %arg7: memref<128x128xf32, #tpu.memory_space<vmem>>, %arg8: memref<10000x128xf32, #tpu.memory_space<vmem_shared>>) attributes {dimension_semantics = [#tpu.dimension_semantics<core_parallel>, #tpu.dimension_semantics<subcore_parallel>], iteration_bounds = array<i64: 2, 16>, scalar_prefetch = 0 : i64, scratch_operands = 3 : i64, tpu.core_type = #tpu.core_type<sc_vector_subcore>, window_params = [{transform_indices = #map}, {transform_indices = #map1}, {transform_indices = #map2}, {transform_indices = #map}]} {
    %mul3A = arith.constant 624 : i32
    %mul3A_0 = arith.muli %arg1, %mul3A : i32
    %mul3A_1 = arith.constant 2 : i32
    %mul3A_2 = arith.muli %arg0, %mul3A_1 : i32
    %add3A = arith.constant 0 : i32
    %add3A_3 = arith.addi %mul3A_2, %add3A : i32
    "tpu.region"() ({
      %run_scoped3A = tpu.sem_alloc : memref<!tpu.dma_semaphore, #tpu.memory_space<semaphore_mem>>
      %dma_start3A = arith.constant 0 : i32
      %dma_start3A_60 = tpu.memref_slice %arg8[%mul3A_0, %dma_start3A] : memref<10000x128xf32, #tpu.memory_space<vmem_shared>> -> memref<624x128xf32, #tpu.memory_space<vmem_shared>>
      %dma_start3A_61 = arith.constant 0 : i32
      %dma_start3A_62 = tpu.memref_slice %arg4[%mul3A_0, %dma_start3A_61] : memref<10000x128xf32, #tpu.memory_space<hbm>> -> memref<624x128xf32, #tpu.memory_space<hbm>>
      tpu.enqueue_dma source(%dma_start3A_62 : memref<624x128xf32, #tpu.memory_space<hbm>>) target(%dma_start3A_60 : memref<624x128xf32, #tpu.memory_space<vmem_shared>>) target_semaphore(%run_scoped3A : memref<!tpu.dma_semaphore, #tpu.memory_space<semaphore_mem>>)
      %dma_wait3A = arith.constant 0 : i32
      %dma_wait3A_63 = tpu.memref_slice %arg8[%mul3A_0, %dma_wait3A] : memref<10000x128xf32, #tpu.memory_space<vmem_shared>> -> memref<624x128xf32, #tpu.memory_space<vmem_shared>>
      %dma_wait3A_64 = arith.constant 0 : i32
      %dma_wait3A_65 = tpu.memref_slice %arg4[%mul3A_0, %dma_wait3A_64] : memref<10000x128xf32, #tpu.memory_space<hbm>> -> memref<624x128xf32, #tpu.memory_space<hbm>>
      tpu.wait_dma2 semaphore(%run_scoped3A : memref<!tpu.dma_semaphore, #tpu.memory_space<semaphore_mem>>) src(%dma_wait3A_65 : memref<624x128xf32, #tpu.memory_space<hbm>>) dst(%dma_wait3A_63 : memref<624x128xf32, #tpu.memory_space<vmem_shared>>)
      tpu.yield
    }) : () -> ()
    %eq3A = arith.constant 15 : i32
    %eq3A_4 = arith.cmpi eq, %arg1, %eq3A : i32
    %convert_element_type3A = arith.extui %eq3A_4 : i1 to i32
    %cond3A = arith.constant 0 : i32
    %cond3A_5 = arith.cmpi ne, %convert_element_type3A, %cond3A : i32
    scf.if %cond3A_5 {
      "tpu.region"() ({
        %run_scoped3A = tpu.sem_alloc : memref<!tpu.dma_semaphore, #tpu.memory_space<semaphore_mem>>
        %dma_start3A = arith.constant 9984 : i32
        %dma_start3A_60 = arith.constant 0 : i32
        %dma_start3A_61 = tpu.memref_slice %arg8[%dma_start3A, %dma_start3A_60] : memref<10000x128xf32, #tpu.memory_space<vmem_shared>> -> memref<16x128xf32, #tpu.memory_space<vmem_shared>>
        %dma_start3A_62 = arith.constant 9984 : i32
        %dma_start3A_63 = arith.constant 0 : i32
        %dma_start3A_64 = tpu.memref_slice %arg4[%dma_start3A_62, %dma_start3A_63] : memref<10000x128xf32, #tpu.memory_space<hbm>> -> memref<16x128xf32, #tpu.memory_space<hbm>>
        tpu.enqueue_dma source(%dma_start3A_64 : memref<16x128xf32, #tpu.memory_space<hbm>>) target(%dma_start3A_61 : memref<16x128xf32, #tpu.memory_space<vmem_shared>>) target_semaphore(%run_scoped3A : memref<!tpu.dma_semaphore, #tpu.memory_space<semaphore_mem>>)
        %dma_wait3A = arith.constant 9984 : i32
        %dma_wait3A_65 = arith.constant 0 : i32
        %dma_wait3A_66 = tpu.memref_slice %arg8[%dma_wait3A, %dma_wait3A_65] : memref<10000x128xf32, #tpu.memory_space<vmem_shared>> -> memref<16x128xf32, #tpu.memory_space<vmem_shared>>
        %dma_wait3A_67 = arith.constant 9984 : i32
        %dma_wait3A_68 = arith.constant 0 : i32
        %dma_wait3A_69 = tpu.memref_slice %arg4[%dma_wait3A_67, %dma_wait3A_68] : memref<10000x128xf32, #tpu.memory_space<hbm>> -> memref<16x128xf32, #tpu.memory_space<hbm>>
        tpu.wait_dma2 semaphore(%run_scoped3A : memref<!tpu.dma_semaphore, #tpu.memory_space<semaphore_mem>>) src(%dma_wait3A_69 : memref<16x128xf32, #tpu.memory_space<hbm>>) dst(%dma_wait3A_66 : memref<16x128xf32, #tpu.memory_space<vmem_shared>>)
        tpu.yield
      }) : () -> ()
    } else {
    }
    %barrier3A = arith.constant 0 : index
    tpu.barrier barrier_id(%barrier3A)
    %lt3A = arith.constant 2 : i32
    %lt3A_6 = arith.cmpi slt, %arg1, %lt3A : i32
    %jit3A = arith.constant 1 : i32
    %jit3A_7 = arith.constant 0 : i32
    %select_n3A = arith.select %lt3A_6, %jit3A, %jit3A_7 : i32
    %add3A_8 = arith.constant 78 : i32
    %add3A_9 = arith.addi %add3A_8, %select_n3A : i32
    %while3A = arith.constant 0 : i32
    %while3A_10 = arith.constant 0 : i32
    %while3A_11 = arith.subi %add3A_9, %while3A_10 : i32
    %while3A_12 = arith.addi %while3A_10, %while3A_11 : i32
    %while3A_13 = arith.constant 1 : i32
    %while3A_14 = arith.divsi %while3A_11, %while3A_13 : i32
    %while3A_15 = arith.muli %while3A_14, %while3A_13 : i32
    %while3A_16 = arith.addi %while3A_10, %while3A_15 : i32
    %while3A_17 = arith.constant 1 : i32
    scf.for %while3A_60 = %while3A_10 to %while3A_16 step %while3A_17  : i32 {
      %mul3A_61 = arith.constant 16 : i32
      %mul3A_62 = arith.muli %while3A_60, %mul3A_61 : i32
      %add3A_63 = arith.addi %arg1, %mul3A_62 : i32
      %mul3A_64 = arith.constant 128 : i32
      %mul3A_65 = arith.muli %add3A_63, %mul3A_64 : i32
      %run_scoped3A = arith.constant 0 : i32
      "tpu.region"() ({
        %run_scoped3A_67 = tpu.sem_alloc : memref<!tpu.dma_semaphore, #tpu.memory_space<semaphore_mem>>
        %dma_start3A = arith.constant 0 : i32
        %dma_start3A_68 = tpu.memref_slice %arg6[%run_scoped3A, %dma_start3A] : memref<1x128xi32, #tpu.memory_space<vmem>> -> memref<1x128xi32, #tpu.memory_space<vmem>>
        %dma_start3A_69 = tpu.memref_squeeze %dma_start3A_68 : memref<1x128xi32, #tpu.memory_space<vmem>> -> memref<128xi32, #tpu.memory_space<vmem>>
        %dma_start3A_70 = tpu.memref_slice %arg3[%mul3A_65] : memref<160000xi32, #tpu.memory_space<hbm>> -> memref<128xi32, #tpu.memory_space<hbm>>
        %dma_start3A_71 = arith.constant 0 : i32
        %dma_start3A_72 = tpu.memref_slice %arg6[%run_scoped3A, %dma_start3A_71] : memref<1x128xi32, #tpu.memory_space<vmem>> -> memref<1x128xi32, #tpu.memory_space<vmem>>
        %dma_start3A_73 = tpu.memref_squeeze %dma_start3A_72 : memref<1x128xi32, #tpu.memory_space<vmem>> -> memref<128xi32, #tpu.memory_space<vmem>>
        %dma_start3A_74 = tpu.memref_slice %arg3[%mul3A_65] : memref<160000xi32, #tpu.memory_space<hbm>> -> memref<128xi32, #tpu.memory_space<hbm>>
        tpu.enqueue_dma source(%dma_start3A_74 : memref<128xi32, #tpu.memory_space<hbm>>) target(%dma_start3A_73 : memref<128xi32, #tpu.memory_space<vmem>>) target_semaphore(%run_scoped3A_67 : memref<!tpu.dma_semaphore, #tpu.memory_space<semaphore_mem>>)
        %dma_wait3A = arith.constant 0 : i32
        %dma_wait3A_75 = tpu.memref_slice %arg6[%run_scoped3A, %dma_wait3A] : memref<1x128xi32, #tpu.memory_space<vmem>> -> memref<1x128xi32, #tpu.memory_space<vmem>>
        %dma_wait3A_76 = tpu.memref_squeeze %dma_wait3A_75 : memref<1x128xi32, #tpu.memory_space<vmem>> -> memref<128xi32, #tpu.memory_space<vmem>>
        %dma_wait3A_77 = tpu.memref_slice %arg3[%mul3A_65] : memref<160000xi32, #tpu.memory_space<hbm>> -> memref<128xi32, #tpu.memory_space<hbm>>
        %dma_wait3A_78 = arith.constant 0 : i32
        %dma_wait3A_79 = tpu.memref_slice %arg6[%run_scoped3A, %dma_wait3A_78] : memref<1x128xi32, #tpu.memory_space<vmem>> -> memref<1x128xi32, #tpu.memory_space<vmem>>
        %dma_wait3A_80 = tpu.memref_squeeze %dma_wait3A_79 : memref<1x128xi32, #tpu.memory_space<vmem>> -> memref<128xi32, #tpu.memory_space<vmem>>
        %dma_wait3A_81 = tpu.memref_slice %arg3[%mul3A_65] : memref<160000xi32, #tpu.memory_space<hbm>> -> memref<128xi32, #tpu.memory_space<hbm>>
        tpu.wait_dma2 semaphore(%run_scoped3A_67 : memref<!tpu.dma_semaphore, #tpu.memory_space<semaphore_mem>>) src(%dma_wait3A_81 : memref<128xi32, #tpu.memory_space<hbm>>) dst(%dma_wait3A_80 : memref<128xi32, #tpu.memory_space<vmem>>)
        tpu.yield
      }) : () -> ()
      "tpu.region"() ({
        %run_scoped3A_67 = tpu.sem_alloc : memref<!tpu.dma_semaphore, #tpu.memory_space<semaphore_mem>>
        %dma_start3A = arith.constant 0 : i32
        %dma_start3A_68 = tpu.memref_slice %arg2[%add3A_3, %mul3A_65, %dma_start3A] : memref<4x160000x128xf32, #tpu.memory_space<hbm>> -> memref<1x128x128xf32, #tpu.memory_space<hbm>>
        %dma_start3A_69 = tpu.memref_squeeze %dma_start3A_68 : memref<1x128x128xf32, #tpu.memory_space<hbm>> -> memref<128x128xf32, #tpu.memory_space<hbm>>
        %dma_start3A_70 = arith.constant 0 : i32
        %dma_start3A_71 = tpu.memref_slice %arg2[%add3A_3, %mul3A_65, %dma_start3A_70] : memref<4x160000x128xf32, #tpu.memory_space<hbm>> -> memref<1x128x128xf32, #tpu.memory_space<hbm>>
        %dma_start3A_72 = tpu.memref_squeeze %dma_start3A_71 : memref<1x128x128xf32, #tpu.memory_space<hbm>> -> memref<128x128xf32, #tpu.memory_space<hbm>>
        tpu.enqueue_dma source(%dma_start3A_72 : memref<128x128xf32, #tpu.memory_space<hbm>>) target(%arg7 : memref<128x128xf32, #tpu.memory_space<vmem>>) target_semaphore(%run_scoped3A_67 : memref<!tpu.dma_semaphore, #tpu.memory_space<semaphore_mem>>)
        %dma_wait3A = arith.constant 0 : i32
        %dma_wait3A_73 = tpu.memref_slice %arg2[%add3A_3, %mul3A_65, %dma_wait3A] : memref<4x160000x128xf32, #tpu.memory_space<hbm>> -> memref<1x128x128xf32, #tpu.memory_space<hbm>>
        %dma_wait3A_74 = tpu.memref_squeeze %dma_wait3A_73 : memref<1x128x128xf32, #tpu.memory_space<hbm>> -> memref<128x128xf32, #tpu.memory_space<hbm>>
        %dma_wait3A_75 = arith.constant 0 : i32
        %dma_wait3A_76 = tpu.memref_slice %arg2[%add3A_3, %mul3A_65, %dma_wait3A_75] : memref<4x160000x128xf32, #tpu.memory_space<hbm>> -> memref<1x128x128xf32, #tpu.memory_space<hbm>>
        %dma_wait3A_77 = tpu.memref_squeeze %dma_wait3A_76 : memref<1x128x128xf32, #tpu.memory_space<hbm>> -> memref<128x128xf32, #tpu.memory_space<hbm>>
        tpu.wait_dma2 semaphore(%run_scoped3A_67 : memref<!tpu.dma_semaphore, #tpu.memory_space<semaphore_mem>>) src(%dma_wait3A_77 : memref<128x128xf32, #tpu.memory_space<hbm>>) dst(%arg7 : memref<128x128xf32, #tpu.memory_space<vmem>>)
        tpu.yield
      }) : () -> ()
      %run_scoped3A_66 = arith.constant 0 : i32
      "tpu.region"() ({
        %run_scoped3A_67 = tpu.sem_alloc : memref<!tpu.dma_semaphore, #tpu.memory_space<semaphore_mem>>
        %dma_start3A = arith.constant 0 : i32
        %dma_start3A_68 = tpu.memref_slice %arg6[%run_scoped3A_66, %dma_start3A] : memref<1x128xi32, #tpu.memory_space<vmem>> -> memref<1x128xi32, #tpu.memory_space<vmem>>
        %dma_start3A_69 = tpu.memref_squeeze %dma_start3A_68 : memref<1x128xi32, #tpu.memory_space<vmem>> -> memref<128xi32, #tpu.memory_space<vmem>>
        %dma_start3A_70 = arith.constant 0 : i32
        %dma_start3A_71 = arith.constant 0 : i32
        %dma_start3A_72 = tpu.memref_slice %arg8[%dma_start3A_70, %dma_start3A_71] : memref<10000x128xf32, #tpu.memory_space<vmem_shared>> -> memref<10000x128xf32, #tpu.memory_space<vmem_shared>>
        tpu.enqueue_indirect_dma source(%arg7 : memref<128x128xf32, #tpu.memory_space<vmem>>) target(%dma_start3A_72 : memref<10000x128xf32, #tpu.memory_space<vmem_shared>>) offsets(%dma_start3A_69 : memref<128xi32, #tpu.memory_space<vmem>>) semaphore(%run_scoped3A_67 : memref<!tpu.dma_semaphore, #tpu.memory_space<semaphore_mem>>) {add = true}
        %dma_wait3A = arith.constant 0 : i32
        %dma_wait3A_73 = tpu.memref_slice %arg6[%run_scoped3A_66, %dma_wait3A] : memref<1x128xi32, #tpu.memory_space<vmem>> -> memref<1x128xi32, #tpu.memory_space<vmem>>
        %dma_wait3A_74 = tpu.memref_squeeze %dma_wait3A_73 : memref<1x128xi32, #tpu.memory_space<vmem>> -> memref<128xi32, #tpu.memory_space<vmem>>
        %dma_wait3A_75 = arith.constant 0 : i32
        %dma_wait3A_76 = arith.constant 0 : i32
        %dma_wait3A_77 = tpu.memref_slice %arg8[%dma_wait3A_75, %dma_wait3A_76] : memref<10000x128xf32, #tpu.memory_space<vmem_shared>> -> memref<10000x128xf32, #tpu.memory_space<vmem_shared>>
        tpu.wait_indirect_dma semaphore(%run_scoped3A_67 : memref<!tpu.dma_semaphore, #tpu.memory_space<semaphore_mem>>) src(%arg7 : memref<128x128xf32, #tpu.memory_space<vmem>>) dst(%dma_wait3A_77 : memref<10000x128xf32, #tpu.memory_space<vmem_shared>>)
        tpu.yield
      }) : () -> ()
    }
    %while3A_18 = arith.constant 1 : i32
    scf.for %while3A_60 = %while3A_16 to %while3A_12 step %while3A_18  : i32 {
      %mul3A_61 = arith.constant 16 : i32
      %mul3A_62 = arith.muli %while3A_60, %mul3A_61 : i32
      %add3A_63 = arith.addi %arg1, %mul3A_62 : i32
      %mul3A_64 = arith.constant 128 : i32
      %mul3A_65 = arith.muli %add3A_63, %mul3A_64 : i32
      %run_scoped3A = arith.constant 0 : i32
      "tpu.region"() ({
        %run_scoped3A_67 = tpu.sem_alloc : memref<!tpu.dma_semaphore, #tpu.memory_space<semaphore_mem>>
        %dma_start3A = arith.constant 0 : i32
        %dma_start3A_68 = tpu.memref_slice %arg6[%run_scoped3A, %dma_start3A] : memref<1x128xi32, #tpu.memory_space<vmem>> -> memref<1x128xi32, #tpu.memory_space<vmem>>
        %dma_start3A_69 = tpu.memref_squeeze %dma_start3A_68 : memref<1x128xi32, #tpu.memory_space<vmem>> -> memref<128xi32, #tpu.memory_space<vmem>>
        %dma_start3A_70 = tpu.memref_slice %arg3[%mul3A_65] : memref<160000xi32, #tpu.memory_space<hbm>> -> memref<128xi32, #tpu.memory_space<hbm>>
        %dma_start3A_71 = arith.constant 0 : i32
        %dma_start3A_72 = tpu.memref_slice %arg6[%run_scoped3A, %dma_start3A_71] : memref<1x128xi32, #tpu.memory_space<vmem>> -> memref<1x128xi32, #tpu.memory_space<vmem>>
        %dma_start3A_73 = tpu.memref_squeeze %dma_start3A_72 : memref<1x128xi32, #tpu.memory_space<vmem>> -> memref<128xi32, #tpu.memory_space<vmem>>
        %dma_start3A_74 = tpu.memref_slice %arg3[%mul3A_65] : memref<160000xi32, #tpu.memory_space<hbm>> -> memref<128xi32, #tpu.memory_space<hbm>>
        tpu.enqueue_dma source(%dma_start3A_74 : memref<128xi32, #tpu.memory_space<hbm>>) target(%dma_start3A_73 : memref<128xi32, #tpu.memory_space<vmem>>) target_semaphore(%run_scoped3A_67 : memref<!tpu.dma_semaphore, #tpu.memory_space<semaphore_mem>>)
        %dma_wait3A = arith.constant 0 : i32
        %dma_wait3A_75 = tpu.memref_slice %arg6[%run_scoped3A, %dma_wait3A] : memref<1x128xi32, #tpu.memory_space<vmem>> -> memref<1x128xi32, #tpu.memory_space<vmem>>
        %dma_wait3A_76 = tpu.memref_squeeze %dma_wait3A_75 : memref<1x128xi32, #tpu.memory_space<vmem>> -> memref<128xi32, #tpu.memory_space<vmem>>
        %dma_wait3A_77 = tpu.memref_slice %arg3[%mul3A_65] : memref<160000xi32, #tpu.memory_space<hbm>> -> memref<128xi32, #tpu.memory_space<hbm>>
        %dma_wait3A_78 = arith.constant 0 : i32
        %dma_wait3A_79 = tpu.memref_slice %arg6[%run_scoped3A, %dma_wait3A_78] : memref<1x128xi32, #tpu.memory_space<vmem>> -> memref<1x128xi32, #tpu.memory_space<vmem>>
        %dma_wait3A_80 = tpu.memref_squeeze %dma_wait3A_79 : memref<1x128xi32, #tpu.memory_space<vmem>> -> memref<128xi32, #tpu.memory_space<vmem>>
        %dma_wait3A_81 = tpu.memref_slice %arg3[%mul3A_65] : memref<160000xi32, #tpu.memory_space<hbm>> -> memref<128xi32, #tpu.memory_space<hbm>>
        tpu.wait_dma2 semaphore(%run_scoped3A_67 : memref<!tpu.dma_semaphore, #tpu.memory_space<semaphore_mem>>) src(%dma_wait3A_81 : memref<128xi32, #tpu.memory_space<hbm>>) dst(%dma_wait3A_80 : memref<128xi32, #tpu.memory_space<vmem>>)
        tpu.yield
      }) : () -> ()
      "tpu.region"() ({
        %run_scoped3A_67 = tpu.sem_alloc : memref<!tpu.dma_semaphore, #tpu.memory_space<semaphore_mem>>
        %dma_start3A = arith.constant 0 : i32
        %dma_start3A_68 = tpu.memref_slice %arg2[%add3A_3, %mul3A_65, %dma_start3A] : memref<4x160000x128xf32, #tpu.memory_space<hbm>> -> memref<1x128x128xf32, #tpu.memory_space<hbm>>
        %dma_start3A_69 = tpu.memref_squeeze %dma_start3A_68 : memref<1x128x128xf32, #tpu.memory_space<hbm>> -> memref<128x128xf32, #tpu.memory_space<hbm>>
        %dma_start3A_70 = arith.constant 0 : i32
        %dma_start3A_71 = tpu.memref_slice %arg2[%add3A_3, %mul3A_65, %dma_start3A_70] : memref<4x160000x128xf32, #tpu.memory_space<hbm>> -> memref<1x128x128xf32, #tpu.memory_space<hbm>>
        %dma_start3A_72 = tpu.memref_squeeze %dma_start3A_71 : memref<1x128x128xf32, #tpu.memory_space<hbm>> -> memref<128x128xf32, #tpu.memory_space<hbm>>
        tpu.enqueue_dma source(%dma_start3A_72 : memref<128x128xf32, #tpu.memory_space<hbm>>) target(%arg7 : memref<128x128xf32, #tpu.memory_space<vmem>>) target_semaphore(%run_scoped3A_67 : memref<!tpu.dma_semaphore, #tpu.memory_space<semaphore_mem>>)
        %dma_wait3A = arith.constant 0 : i32
        %dma_wait3A_73 = tpu.memref_slice %arg2[%add3A_3, %mul3A_65, %dma_wait3A] : memref<4x160000x128xf32, #tpu.memory_space<hbm>> -> memref<1x128x128xf32, #tpu.memory_space<hbm>>
        %dma_wait3A_74 = tpu.memref_squeeze %dma_wait3A_73 : memref<1x128x128xf32, #tpu.memory_space<hbm>> -> memref<128x128xf32, #tpu.memory_space<hbm>>
        %dma_wait3A_75 = arith.constant 0 : i32
        %dma_wait3A_76 = tpu.memref_slice %arg2[%add3A_3, %mul3A_65, %dma_wait3A_75] : memref<4x160000x128xf32, #tpu.memory_space<hbm>> -> memref<1x128x128xf32, #tpu.memory_space<hbm>>
        %dma_wait3A_77 = tpu.memref_squeeze %dma_wait3A_76 : memref<1x128x128xf32, #tpu.memory_space<hbm>> -> memref<128x128xf32, #tpu.memory_space<hbm>>
        tpu.wait_dma2 semaphore(%run_scoped3A_67 : memref<!tpu.dma_semaphore, #tpu.memory_space<semaphore_mem>>) src(%dma_wait3A_77 : memref<128x128xf32, #tpu.memory_space<hbm>>) dst(%arg7 : memref<128x128xf32, #tpu.memory_space<vmem>>)
        tpu.yield
      }) : () -> ()
      %run_scoped3A_66 = arith.constant 0 : i32
      "tpu.region"() ({
        %run_scoped3A_67 = tpu.sem_alloc : memref<!tpu.dma_semaphore, #tpu.memory_space<semaphore_mem>>
        %dma_start3A = arith.constant 0 : i32
        %dma_start3A_68 = tpu.memref_slice %arg6[%run_scoped3A_66, %dma_start3A] : memref<1x128xi32, #tpu.memory_space<vmem>> -> memref<1x128xi32, #tpu.memory_space<vmem>>
        %dma_start3A_69 = tpu.memref_squeeze %dma_start3A_68 : memref<1x128xi32, #tpu.memory_space<vmem>> -> memref<128xi32, #tpu.memory_space<vmem>>
        %dma_start3A_70 = arith.constant 0 : i32
        %dma_start3A_71 = arith.constant 0 : i32
        %dma_start3A_72 = tpu.memref_slice %arg8[%dma_start3A_70, %dma_start3A_71] : memref<10000x128xf32, #tpu.memory_space<vmem_shared>> -> memref<10000x128xf32, #tpu.memory_space<vmem_shared>>
        tpu.enqueue_indirect_dma source(%arg7 : memref<128x128xf32, #tpu.memory_space<vmem>>) target(%dma_start3A_72 : memref<10000x128xf32, #tpu.memory_space<vmem_shared>>) offsets(%dma_start3A_69 : memref<128xi32, #tpu.memory_space<vmem>>) semaphore(%run_scoped3A_67 : memref<!tpu.dma_semaphore, #tpu.memory_space<semaphore_mem>>) {add = true}
        %dma_wait3A = arith.constant 0 : i32
        %dma_wait3A_73 = tpu.memref_slice %arg6[%run_scoped3A_66, %dma_wait3A] : memref<1x128xi32, #tpu.memory_space<vmem>> -> memref<1x128xi32, #tpu.memory_space<vmem>>
        %dma_wait3A_74 = tpu.memref_squeeze %dma_wait3A_73 : memref<1x128xi32, #tpu.memory_space<vmem>> -> memref<128xi32, #tpu.memory_space<vmem>>
        %dma_wait3A_75 = arith.constant 0 : i32
        %dma_wait3A_76 = arith.constant 0 : i32
        %dma_wait3A_77 = tpu.memref_slice %arg8[%dma_wait3A_75, %dma_wait3A_76] : memref<10000x128xf32, #tpu.memory_space<vmem_shared>> -> memref<10000x128xf32, #tpu.memory_space<vmem_shared>>
        tpu.wait_indirect_dma semaphore(%run_scoped3A_67 : memref<!tpu.dma_semaphore, #tpu.memory_space<semaphore_mem>>) src(%arg7 : memref<128x128xf32, #tpu.memory_space<vmem>>) dst(%dma_wait3A_77 : memref<10000x128xf32, #tpu.memory_space<vmem_shared>>)
        tpu.yield
      }) : () -> ()
    }
    %barrier3A_19 = arith.constant 0 : index
    tpu.barrier barrier_id(%barrier3A_19)
    "tpu.region"() ({
      %run_scoped3A = tpu.sem_alloc : memref<!tpu.dma_semaphore, #tpu.memory_space<semaphore_mem>>
      %dma_start3A = arith.constant 0 : i32
      %dma_start3A_60 = tpu.memref_slice %arg5[%add3A_3, %mul3A_0, %dma_start3A] : memref<4x10000x128xf32, #tpu.memory_space<hbm>> -> memref<1x624x128xf32, #tpu.memory_space<hbm>>
      %dma_start3A_61 = tpu.memref_squeeze %dma_start3A_60 : memref<1x624x128xf32, #tpu.memory_space<hbm>> -> memref<624x128xf32, #tpu.memory_space<hbm>>
      %dma_start3A_62 = arith.constant 0 : i32
      %dma_start3A_63 = tpu.memref_slice %arg8[%mul3A_0, %dma_start3A_62] : memref<10000x128xf32, #tpu.memory_space<vmem_shared>> -> memref<624x128xf32, #tpu.memory_space<vmem_shared>>
      tpu.enqueue_dma source(%dma_start3A_63 : memref<624x128xf32, #tpu.memory_space<vmem_shared>>) target(%dma_start3A_61 : memref<624x128xf32, #tpu.memory_space<hbm>>) target_semaphore(%run_scoped3A : memref<!tpu.dma_semaphore, #tpu.memory_space<semaphore_mem>>)
      %dma_wait3A = arith.constant 0 : i32
      %dma_wait3A_64 = tpu.memref_slice %arg5[%add3A_3, %mul3A_0, %dma_wait3A] : memref<4x10000x128xf32, #tpu.memory_space<hbm>> -> memref<1x624x128xf32, #tpu.memory_space<hbm>>
      %dma_wait3A_65 = tpu.memref_squeeze %dma_wait3A_64 : memref<1x624x128xf32, #tpu.memory_space<hbm>> -> memref<624x128xf32, #tpu.memory_space<hbm>>
      %dma_wait3A_66 = arith.constant 0 : i32
      %dma_wait3A_67 = tpu.memref_slice %arg8[%mul3A_0, %dma_wait3A_66] : memref<10000x128xf32, #tpu.memory_space<vmem_shared>> -> memref<624x128xf32, #tpu.memory_space<vmem_shared>>
      tpu.wait_dma2 semaphore(%run_scoped3A : memref<!tpu.dma_semaphore, #tpu.memory_space<semaphore_mem>>) src(%dma_wait3A_67 : memref<624x128xf32, #tpu.memory_space<vmem_shared>>) dst(%dma_wait3A_65 : memref<624x128xf32, #tpu.memory_space<hbm>>)
      tpu.yield
    }) : () -> ()
    %eq3A_20 = arith.constant 15 : i32
    %eq3A_21 = arith.cmpi eq, %arg1, %eq3A_20 : i32
    %convert_element_type3A_22 = arith.extui %eq3A_21 : i1 to i32
    %cond3A_23 = arith.constant 0 : i32
    %cond3A_24 = arith.cmpi ne, %convert_element_type3A_22, %cond3A_23 : i32
    scf.if %cond3A_24 {
      "tpu.region"() ({
        %run_scoped3A = tpu.sem_alloc : memref<!tpu.dma_semaphore, #tpu.memory_space<semaphore_mem>>
        %dma_start3A = arith.constant 9984 : i32
        %dma_start3A_60 = arith.constant 0 : i32
        %dma_start3A_61 = tpu.memref_slice %arg5[%add3A_3, %dma_start3A, %dma_start3A_60] : memref<4x10000x128xf32, #tpu.memory_space<hbm>> -> memref<1x16x128xf32, #tpu.memory_space<hbm>>
        %dma_start3A_62 = tpu.memref_squeeze %dma_start3A_61 : memref<1x16x128xf32, #tpu.memory_space<hbm>> -> memref<16x128xf32, #tpu.memory_space<hbm>>
        %dma_start3A_63 = arith.constant 9984 : i32
        %dma_start3A_64 = arith.constant 0 : i32
        %dma_start3A_65 = tpu.memref_slice %arg8[%dma_start3A_63, %dma_start3A_64] : memref<10000x128xf32, #tpu.memory_space<vmem_shared>> -> memref<16x128xf32, #tpu.memory_space<vmem_shared>>
        tpu.enqueue_dma source(%dma_start3A_65 : memref<16x128xf32, #tpu.memory_space<vmem_shared>>) target(%dma_start3A_62 : memref<16x128xf32, #tpu.memory_space<hbm>>) target_semaphore(%run_scoped3A : memref<!tpu.dma_semaphore, #tpu.memory_space<semaphore_mem>>)
        %dma_wait3A = arith.constant 9984 : i32
        %dma_wait3A_66 = arith.constant 0 : i32
        %dma_wait3A_67 = tpu.memref_slice %arg5[%add3A_3, %dma_wait3A, %dma_wait3A_66] : memref<4x10000x128xf32, #tpu.memory_space<hbm>> -> memref<1x16x128xf32, #tpu.memory_space<hbm>>
        %dma_wait3A_68 = tpu.memref_squeeze %dma_wait3A_67 : memref<1x16x128xf32, #tpu.memory_space<hbm>> -> memref<16x128xf32, #tpu.memory_space<hbm>>
        %dma_wait3A_69 = arith.constant 9984 : i32
        %dma_wait3A_70 = arith.constant 0 : i32
        %dma_wait3A_71 = tpu.memref_slice %arg8[%dma_wait3A_69, %dma_wait3A_70] : memref<10000x128xf32, #tpu.memory_space<vmem_shared>> -> memref<16x128xf32, #tpu.memory_space<vmem_shared>>
        tpu.wait_dma2 semaphore(%run_scoped3A : memref<!tpu.dma_semaphore, #tpu.memory_space<semaphore_mem>>) src(%dma_wait3A_71 : memref<16x128xf32, #tpu.memory_space<vmem_shared>>) dst(%dma_wait3A_68 : memref<16x128xf32, #tpu.memory_space<hbm>>)
        tpu.yield
      }) : () -> ()
    } else {
    }
    %barrier3A_25 = arith.constant 0 : index
    tpu.barrier barrier_id(%barrier3A_25)
    %mul3A_26 = arith.constant 2 : i32
    %mul3A_27 = arith.muli %arg0, %mul3A_26 : i32
    %add3A_28 = arith.constant 1 : i32
    %add3A_29 = arith.addi %mul3A_27, %add3A_28 : i32
    "tpu.region"() ({
      %run_scoped3A = tpu.sem_alloc : memref<!tpu.dma_semaphore, #tpu.memory_space<semaphore_mem>>
      %dma_start3A = arith.constant 0 : i32
      %dma_start3A_60 = tpu.memref_slice %arg8[%mul3A_0, %dma_start3A] : memref<10000x128xf32, #tpu.memory_space<vmem_shared>> -> memref<624x128xf32, #tpu.memory_space<vmem_shared>>
      %dma_start3A_61 = arith.constant 0 : i32
      %dma_start3A_62 = tpu.memref_slice %arg4[%mul3A_0, %dma_start3A_61] : memref<10000x128xf32, #tpu.memory_space<hbm>> -> memref<624x128xf32, #tpu.memory_space<hbm>>
      tpu.enqueue_dma source(%dma_start3A_62 : memref<624x128xf32, #tpu.memory_space<hbm>>) target(%dma_start3A_60 : memref<624x128xf32, #tpu.memory_space<vmem_shared>>) target_semaphore(%run_scoped3A : memref<!tpu.dma_semaphore, #tpu.memory_space<semaphore_mem>>)
      %dma_wait3A = arith.constant 0 : i32
      %dma_wait3A_63 = tpu.memref_slice %arg8[%mul3A_0, %dma_wait3A] : memref<10000x128xf32, #tpu.memory_space<vmem_shared>> -> memref<624x128xf32, #tpu.memory_space<vmem_shared>>
      %dma_wait3A_64 = arith.constant 0 : i32
      %dma_wait3A_65 = tpu.memref_slice %arg4[%mul3A_0, %dma_wait3A_64] : memref<10000x128xf32, #tpu.memory_space<hbm>> -> memref<624x128xf32, #tpu.memory_space<hbm>>
      tpu.wait_dma2 semaphore(%run_scoped3A : memref<!tpu.dma_semaphore, #tpu.memory_space<semaphore_mem>>) src(%dma_wait3A_65 : memref<624x128xf32, #tpu.memory_space<hbm>>) dst(%dma_wait3A_63 : memref<624x128xf32, #tpu.memory_space<vmem_shared>>)
      tpu.yield
    }) : () -> ()
    %eq3A_30 = arith.constant 15 : i32
    %eq3A_31 = arith.cmpi eq, %arg1, %eq3A_30 : i32
    %convert_element_type3A_32 = arith.extui %eq3A_31 : i1 to i32
    %cond3A_33 = arith.constant 0 : i32
    %cond3A_34 = arith.cmpi ne, %convert_element_type3A_32, %cond3A_33 : i32
    scf.if %cond3A_34 {
      "tpu.region"() ({
        %run_scoped3A = tpu.sem_alloc : memref<!tpu.dma_semaphore, #tpu.memory_space<semaphore_mem>>
        %dma_start3A = arith.constant 9984 : i32
        %dma_start3A_60 = arith.constant 0 : i32
        %dma_start3A_61 = tpu.memref_slice %arg8[%dma_start3A, %dma_start3A_60] : memref<10000x128xf32, #tpu.memory_space<vmem_shared>> -> memref<16x128xf32, #tpu.memory_space<vmem_shared>>
        %dma_start3A_62 = arith.constant 9984 : i32
        %dma_start3A_63 = arith.constant 0 : i32
        %dma_start3A_64 = tpu.memref_slice %arg4[%dma_start3A_62, %dma_start3A_63] : memref<10000x128xf32, #tpu.memory_space<hbm>> -> memref<16x128xf32, #tpu.memory_space<hbm>>
        tpu.enqueue_dma source(%dma_start3A_64 : memref<16x128xf32, #tpu.memory_space<hbm>>) target(%dma_start3A_61 : memref<16x128xf32, #tpu.memory_space<vmem_shared>>) target_semaphore(%run_scoped3A : memref<!tpu.dma_semaphore, #tpu.memory_space<semaphore_mem>>)
        %dma_wait3A = arith.constant 9984 : i32
        %dma_wait3A_65 = arith.constant 0 : i32
        %dma_wait3A_66 = tpu.memref_slice %arg8[%dma_wait3A, %dma_wait3A_65] : memref<10000x128xf32, #tpu.memory_space<vmem_shared>> -> memref<16x128xf32, #tpu.memory_space<vmem_shared>>
        %dma_wait3A_67 = arith.constant 9984 : i32
        %dma_wait3A_68 = arith.constant 0 : i32
        %dma_wait3A_69 = tpu.memref_slice %arg4[%dma_wait3A_67, %dma_wait3A_68] : memref<10000x128xf32, #tpu.memory_space<hbm>> -> memref<16x128xf32, #tpu.memory_space<hbm>>
        tpu.wait_dma2 semaphore(%run_scoped3A : memref<!tpu.dma_semaphore, #tpu.memory_space<semaphore_mem>>) src(%dma_wait3A_69 : memref<16x128xf32, #tpu.memory_space<hbm>>) dst(%dma_wait3A_66 : memref<16x128xf32, #tpu.memory_space<vmem_shared>>)
        tpu.yield
      }) : () -> ()
    } else {
    }
    %barrier3A_35 = arith.constant 0 : index
    tpu.barrier barrier_id(%barrier3A_35)
    %lt3A_36 = arith.constant 2 : i32
    %lt3A_37 = arith.cmpi slt, %arg1, %lt3A_36 : i32
    %jit3A_38 = arith.constant 1 : i32
    %jit3A_39 = arith.constant 0 : i32
    %select_n3A_40 = arith.select %lt3A_37, %jit3A_38, %jit3A_39 : i32
    %add3A_41 = arith.constant 78 : i32
    %add3A_42 = arith.addi %add3A_41, %select_n3A_40 : i32
    %while3A_43 = arith.constant 0 : i32
    %while3A_44 = arith.constant 0 : i32
    %while3A_45 = arith.subi %add3A_42, %while3A_44 : i32
    %while3A_46 = arith.addi %while3A_44, %while3A_45 : i32
    %while3A_47 = arith.constant 1 : i32
    %while3A_48 = arith.divsi %while3A_45, %while3A_47 : i32
    %while3A_49 = arith.muli %while3A_48, %while3A_47 : i32
    %while3A_50 = arith.addi %while3A_44, %while3A_49 : i32
    %while3A_51 = arith.constant 1 : i32
    scf.for %while3A_60 = %while3A_44 to %while3A_50 step %while3A_51  : i32 {
      %mul3A_61 = arith.constant 16 : i32
      %mul3A_62 = arith.muli %while3A_60, %mul3A_61 : i32
      %add3A_63 = arith.addi %arg1, %mul3A_62 : i32
      %mul3A_64 = arith.constant 128 : i32
      %mul3A_65 = arith.muli %add3A_63, %mul3A_64 : i32
      %run_scoped3A = arith.constant 0 : i32
      "tpu.region"() ({
        %run_scoped3A_67 = tpu.sem_alloc : memref<!tpu.dma_semaphore, #tpu.memory_space<semaphore_mem>>
        %dma_start3A = arith.constant 0 : i32
        %dma_start3A_68 = tpu.memref_slice %arg6[%run_scoped3A, %dma_start3A] : memref<1x128xi32, #tpu.memory_space<vmem>> -> memref<1x128xi32, #tpu.memory_space<vmem>>
        %dma_start3A_69 = tpu.memref_squeeze %dma_start3A_68 : memref<1x128xi32, #tpu.memory_space<vmem>> -> memref<128xi32, #tpu.memory_space<vmem>>
        %dma_start3A_70 = tpu.memref_slice %arg3[%mul3A_65] : memref<160000xi32, #tpu.memory_space<hbm>> -> memref<128xi32, #tpu.memory_space<hbm>>
        %dma_start3A_71 = arith.constant 0 : i32
        %dma_start3A_72 = tpu.memref_slice %arg6[%run_scoped3A, %dma_start3A_71] : memref<1x128xi32, #tpu.memory_space<vmem>> -> memref<1x128xi32, #tpu.memory_space<vmem>>
        %dma_start3A_73 = tpu.memref_squeeze %dma_start3A_72 : memref<1x128xi32, #tpu.memory_space<vmem>> -> memref<128xi32, #tpu.memory_space<vmem>>
        %dma_start3A_74 = tpu.memref_slice %arg3[%mul3A_65] : memref<160000xi32, #tpu.memory_space<hbm>> -> memref<128xi32, #tpu.memory_space<hbm>>
        tpu.enqueue_dma source(%dma_start3A_74 : memref<128xi32, #tpu.memory_space<hbm>>) target(%dma_start3A_73 : memref<128xi32, #tpu.memory_space<vmem>>) target_semaphore(%run_scoped3A_67 : memref<!tpu.dma_semaphore, #tpu.memory_space<semaphore_mem>>)
        %dma_wait3A = arith.constant 0 : i32
        %dma_wait3A_75 = tpu.memref_slice %arg6[%run_scoped3A, %dma_wait3A] : memref<1x128xi32, #tpu.memory_space<vmem>> -> memref<1x128xi32, #tpu.memory_space<vmem>>
        %dma_wait3A_76 = tpu.memref_squeeze %dma_wait3A_75 : memref<1x128xi32, #tpu.memory_space<vmem>> -> memref<128xi32, #tpu.memory_space<vmem>>
        %dma_wait3A_77 = tpu.memref_slice %arg3[%mul3A_65] : memref<160000xi32, #tpu.memory_space<hbm>> -> memref<128xi32, #tpu.memory_space<hbm>>
        %dma_wait3A_78 = arith.constant 0 : i32
        %dma_wait3A_79 = tpu.memref_slice %arg6[%run_scoped3A, %dma_wait3A_78] : memref<1x128xi32, #tpu.memory_space<vmem>> -> memref<1x128xi32, #tpu.memory_space<vmem>>
        %dma_wait3A_80 = tpu.memref_squeeze %dma_wait3A_79 : memref<1x128xi32, #tpu.memory_space<vmem>> -> memref<128xi32, #tpu.memory_space<vmem>>
        %dma_wait3A_81 = tpu.memref_slice %arg3[%mul3A_65] : memref<160000xi32, #tpu.memory_space<hbm>> -> memref<128xi32, #tpu.memory_space<hbm>>
        tpu.wait_dma2 semaphore(%run_scoped3A_67 : memref<!tpu.dma_semaphore, #tpu.memory_space<semaphore_mem>>) src(%dma_wait3A_81 : memref<128xi32, #tpu.memory_space<hbm>>) dst(%dma_wait3A_80 : memref<128xi32, #tpu.memory_space<vmem>>)
        tpu.yield
      }) : () -> ()
      "tpu.region"() ({
        %run_scoped3A_67 = tpu.sem_alloc : memref<!tpu.dma_semaphore, #tpu.memory_space<semaphore_mem>>
        %dma_start3A = arith.constant 0 : i32
        %dma_start3A_68 = tpu.memref_slice %arg2[%add3A_29, %mul3A_65, %dma_start3A] : memref<4x160000x128xf32, #tpu.memory_space<hbm>> -> memref<1x128x128xf32, #tpu.memory_space<hbm>>
        %dma_start3A_69 = tpu.memref_squeeze %dma_start3A_68 : memref<1x128x128xf32, #tpu.memory_space<hbm>> -> memref<128x128xf32, #tpu.memory_space<hbm>>
        %dma_start3A_70 = arith.constant 0 : i32
        %dma_start3A_71 = tpu.memref_slice %arg2[%add3A_29, %mul3A_65, %dma_start3A_70] : memref<4x160000x128xf32, #tpu.memory_space<hbm>> -> memref<1x128x128xf32, #tpu.memory_space<hbm>>
        %dma_start3A_72 = tpu.memref_squeeze %dma_start3A_71 : memref<1x128x128xf32, #tpu.memory_space<hbm>> -> memref<128x128xf32, #tpu.memory_space<hbm>>
        tpu.enqueue_dma source(%dma_start3A_72 : memref<128x128xf32, #tpu.memory_space<hbm>>) target(%arg7 : memref<128x128xf32, #tpu.memory_space<vmem>>) target_semaphore(%run_scoped3A_67 : memref<!tpu.dma_semaphore, #tpu.memory_space<semaphore_mem>>)
        %dma_wait3A = arith.constant 0 : i32
        %dma_wait3A_73 = tpu.memref_slice %arg2[%add3A_29, %mul3A_65, %dma_wait3A] : memref<4x160000x128xf32, #tpu.memory_space<hbm>> -> memref<1x128x128xf32, #tpu.memory_space<hbm>>
        %dma_wait3A_74 = tpu.memref_squeeze %dma_wait3A_73 : memref<1x128x128xf32, #tpu.memory_space<hbm>> -> memref<128x128xf32, #tpu.memory_space<hbm>>
        %dma_wait3A_75 = arith.constant 0 : i32
        %dma_wait3A_76 = tpu.memref_slice %arg2[%add3A_29, %mul3A_65, %dma_wait3A_75] : memref<4x160000x128xf32, #tpu.memory_space<hbm>> -> memref<1x128x128xf32, #tpu.memory_space<hbm>>
        %dma_wait3A_77 = tpu.memref_squeeze %dma_wait3A_76 : memref<1x128x128xf32, #tpu.memory_space<hbm>> -> memref<128x128xf32, #tpu.memory_space<hbm>>
        tpu.wait_dma2 semaphore(%run_scoped3A_67 : memref<!tpu.dma_semaphore, #tpu.memory_space<semaphore_mem>>) src(%dma_wait3A_77 : memref<128x128xf32, #tpu.memory_space<hbm>>) dst(%arg7 : memref<128x128xf32, #tpu.memory_space<vmem>>)
        tpu.yield
      }) : () -> ()
      %run_scoped3A_66 = arith.constant 0 : i32
      "tpu.region"() ({
        %run_scoped3A_67 = tpu.sem_alloc : memref<!tpu.dma_semaphore, #tpu.memory_space<semaphore_mem>>
        %dma_start3A = arith.constant 0 : i32
        %dma_start3A_68 = tpu.memref_slice %arg6[%run_scoped3A_66, %dma_start3A] : memref<1x128xi32, #tpu.memory_space<vmem>> -> memref<1x128xi32, #tpu.memory_space<vmem>>
        %dma_start3A_69 = tpu.memref_squeeze %dma_start3A_68 : memref<1x128xi32, #tpu.memory_space<vmem>> -> memref<128xi32, #tpu.memory_space<vmem>>
        %dma_start3A_70 = arith.constant 0 : i32
        %dma_start3A_71 = arith.constant 0 : i32
        %dma_start3A_72 = tpu.memref_slice %arg8[%dma_start3A_70, %dma_start3A_71] : memref<10000x128xf32, #tpu.memory_space<vmem_shared>> -> memref<10000x128xf32, #tpu.memory_space<vmem_shared>>
        tpu.enqueue_indirect_dma source(%arg7 : memref<128x128xf32, #tpu.memory_space<vmem>>) target(%dma_start3A_72 : memref<10000x128xf32, #tpu.memory_space<vmem_shared>>) offsets(%dma_start3A_69 : memref<128xi32, #tpu.memory_space<vmem>>) semaphore(%run_scoped3A_67 : memref<!tpu.dma_semaphore, #tpu.memory_space<semaphore_mem>>) {add = true}
        %dma_wait3A = arith.constant 0 : i32
        %dma_wait3A_73 = tpu.memref_slice %arg6[%run_scoped3A_66, %dma_wait3A] : memref<1x128xi32, #tpu.memory_space<vmem>> -> memref<1x128xi32, #tpu.memory_space<vmem>>
        %dma_wait3A_74 = tpu.memref_squeeze %dma_wait3A_73 : memref<1x128xi32, #tpu.memory_space<vmem>> -> memref<128xi32, #tpu.memory_space<vmem>>
        %dma_wait3A_75 = arith.constant 0 : i32
        %dma_wait3A_76 = arith.constant 0 : i32
        %dma_wait3A_77 = tpu.memref_slice %arg8[%dma_wait3A_75, %dma_wait3A_76] : memref<10000x128xf32, #tpu.memory_space<vmem_shared>> -> memref<10000x128xf32, #tpu.memory_space<vmem_shared>>
        tpu.wait_indirect_dma semaphore(%run_scoped3A_67 : memref<!tpu.dma_semaphore, #tpu.memory_space<semaphore_mem>>) src(%arg7 : memref<128x128xf32, #tpu.memory_space<vmem>>) dst(%dma_wait3A_77 : memref<10000x128xf32, #tpu.memory_space<vmem_shared>>)
        tpu.yield
      }) : () -> ()
    }
    %while3A_52 = arith.constant 1 : i32
    scf.for %while3A_60 = %while3A_50 to %while3A_46 step %while3A_52  : i32 {
      %mul3A_61 = arith.constant 16 : i32
      %mul3A_62 = arith.muli %while3A_60, %mul3A_61 : i32
      %add3A_63 = arith.addi %arg1, %mul3A_62 : i32
      %mul3A_64 = arith.constant 128 : i32
      %mul3A_65 = arith.muli %add3A_63, %mul3A_64 : i32
      %run_scoped3A = arith.constant 0 : i32
      "tpu.region"() ({
        %run_scoped3A_67 = tpu.sem_alloc : memref<!tpu.dma_semaphore, #tpu.memory_space<semaphore_mem>>
        %dma_start3A = arith.constant 0 : i32
        %dma_start3A_68 = tpu.memref_slice %arg6[%run_scoped3A, %dma_start3A] : memref<1x128xi32, #tpu.memory_space<vmem>> -> memref<1x128xi32, #tpu.memory_space<vmem>>
        %dma_start3A_69 = tpu.memref_squeeze %dma_start3A_68 : memref<1x128xi32, #tpu.memory_space<vmem>> -> memref<128xi32, #tpu.memory_space<vmem>>
        %dma_start3A_70 = tpu.memref_slice %arg3[%mul3A_65] : memref<160000xi32, #tpu.memory_space<hbm>> -> memref<128xi32, #tpu.memory_space<hbm>>
        %dma_start3A_71 = arith.constant 0 : i32
        %dma_start3A_72 = tpu.memref_slice %arg6[%run_scoped3A, %dma_start3A_71] : memref<1x128xi32, #tpu.memory_space<vmem>> -> memref<1x128xi32, #tpu.memory_space<vmem>>
        %dma_start3A_73 = tpu.memref_squeeze %dma_start3A_72 : memref<1x128xi32, #tpu.memory_space<vmem>> -> memref<128xi32, #tpu.memory_space<vmem>>
        %dma_start3A_74 = tpu.memref_slice %arg3[%mul3A_65] : memref<160000xi32, #tpu.memory_space<hbm>> -> memref<128xi32, #tpu.memory_space<hbm>>
        tpu.enqueue_dma source(%dma_start3A_74 : memref<128xi32, #tpu.memory_space<hbm>>) target(%dma_start3A_73 : memref<128xi32, #tpu.memory_space<vmem>>) target_semaphore(%run_scoped3A_67 : memref<!tpu.dma_semaphore, #tpu.memory_space<semaphore_mem>>)
        %dma_wait3A = arith.constant 0 : i32
        %dma_wait3A_75 = tpu.memref_slice %arg6[%run_scoped3A, %dma_wait3A] : memref<1x128xi32, #tpu.memory_space<vmem>> -> memref<1x128xi32, #tpu.memory_space<vmem>>
        %dma_wait3A_76 = tpu.memref_squeeze %dma_wait3A_75 : memref<1x128xi32, #tpu.memory_space<vmem>> -> memref<128xi32, #tpu.memory_space<vmem>>
        %dma_wait3A_77 = tpu.memref_slice %arg3[%mul3A_65] : memref<160000xi32, #tpu.memory_space<hbm>> -> memref<128xi32, #tpu.memory_space<hbm>>
        %dma_wait3A_78 = arith.constant 0 : i32
        %dma_wait3A_79 = tpu.memref_slice %arg6[%run_scoped3A, %dma_wait3A_78] : memref<1x128xi32, #tpu.memory_space<vmem>> -> memref<1x128xi32, #tpu.memory_space<vmem>>
        %dma_wait3A_80 = tpu.memref_squeeze %dma_wait3A_79 : memref<1x128xi32, #tpu.memory_space<vmem>> -> memref<128xi32, #tpu.memory_space<vmem>>
        %dma_wait3A_81 = tpu.memref_slice %arg3[%mul3A_65] : memref<160000xi32, #tpu.memory_space<hbm>> -> memref<128xi32, #tpu.memory_space<hbm>>
        tpu.wait_dma2 semaphore(%run_scoped3A_67 : memref<!tpu.dma_semaphore, #tpu.memory_space<semaphore_mem>>) src(%dma_wait3A_81 : memref<128xi32, #tpu.memory_space<hbm>>) dst(%dma_wait3A_80 : memref<128xi32, #tpu.memory_space<vmem>>)
        tpu.yield
      }) : () -> ()
      "tpu.region"() ({
        %run_scoped3A_67 = tpu.sem_alloc : memref<!tpu.dma_semaphore, #tpu.memory_space<semaphore_mem>>
        %dma_start3A = arith.constant 0 : i32
        %dma_start3A_68 = tpu.memref_slice %arg2[%add3A_29, %mul3A_65, %dma_start3A] : memref<4x160000x128xf32, #tpu.memory_space<hbm>> -> memref<1x128x128xf32, #tpu.memory_space<hbm>>
        %dma_start3A_69 = tpu.memref_squeeze %dma_start3A_68 : memref<1x128x128xf32, #tpu.memory_space<hbm>> -> memref<128x128xf32, #tpu.memory_space<hbm>>
        %dma_start3A_70 = arith.constant 0 : i32
        %dma_start3A_71 = tpu.memref_slice %arg2[%add3A_29, %mul3A_65, %dma_start3A_70] : memref<4x160000x128xf32, #tpu.memory_space<hbm>> -> memref<1x128x128xf32, #tpu.memory_space<hbm>>
        %dma_start3A_72 = tpu.memref_squeeze %dma_start3A_71 : memref<1x128x128xf32, #tpu.memory_space<hbm>> -> memref<128x128xf32, #tpu.memory_space<hbm>>
        tpu.enqueue_dma source(%dma_start3A_72 : memref<128x128xf32, #tpu.memory_space<hbm>>) target(%arg7 : memref<128x128xf32, #tpu.memory_space<vmem>>) target_semaphore(%run_scoped3A_67 : memref<!tpu.dma_semaphore, #tpu.memory_space<semaphore_mem>>)
        %dma_wait3A = arith.constant 0 : i32
        %dma_wait3A_73 = tpu.memref_slice %arg2[%add3A_29, %mul3A_65, %dma_wait3A] : memref<4x160000x128xf32, #tpu.memory_space<hbm>> -> memref<1x128x128xf32, #tpu.memory_space<hbm>>
        %dma_wait3A_74 = tpu.memref_squeeze %dma_wait3A_73 : memref<1x128x128xf32, #tpu.memory_space<hbm>> -> memref<128x128xf32, #tpu.memory_space<hbm>>
        %dma_wait3A_75 = arith.constant 0 : i32
        %dma_wait3A_76 = tpu.memref_slice %arg2[%add3A_29, %mul3A_65, %dma_wait3A_75] : memref<4x160000x128xf32, #tpu.memory_space<hbm>> -> memref<1x128x128xf32, #tpu.memory_space<hbm>>
        %dma_wait3A_77 = tpu.memref_squeeze %dma_wait3A_76 : memref<1x128x128xf32, #tpu.memory_space<hbm>> -> memref<128x128xf32, #tpu.memory_space<hbm>>
        tpu.wait_dma2 semaphore(%run_scoped3A_67 : memref<!tpu.dma_semaphore, #tpu.memory_space<semaphore_mem>>) src(%dma_wait3A_77 : memref<128x128xf32, #tpu.memory_space<hbm>>) dst(%arg7 : memref<128x128xf32, #tpu.memory_space<vmem>>)
        tpu.yield
      }) : () -> ()
      %run_scoped3A_66 = arith.constant 0 : i32
      "tpu.region"() ({
        %run_scoped3A_67 = tpu.sem_alloc : memref<!tpu.dma_semaphore, #tpu.memory_space<semaphore_mem>>
        %dma_start3A = arith.constant 0 : i32
        %dma_start3A_68 = tpu.memref_slice %arg6[%run_scoped3A_66, %dma_start3A] : memref<1x128xi32, #tpu.memory_space<vmem>> -> memref<1x128xi32, #tpu.memory_space<vmem>>
        %dma_start3A_69 = tpu.memref_squeeze %dma_start3A_68 : memref<1x128xi32, #tpu.memory_space<vmem>> -> memref<128xi32, #tpu.memory_space<vmem>>
        %dma_start3A_70 = arith.constant 0 : i32
        %dma_start3A_71 = arith.constant 0 : i32
        %dma_start3A_72 = tpu.memref_slice %arg8[%dma_start3A_70, %dma_start3A_71] : memref<10000x128xf32, #tpu.memory_space<vmem_shared>> -> memref<10000x128xf32, #tpu.memory_space<vmem_shared>>
        tpu.enqueue_indirect_dma source(%arg7 : memref<128x128xf32, #tpu.memory_space<vmem>>) target(%dma_start3A_72 : memref<10000x128xf32, #tpu.memory_space<vmem_shared>>) offsets(%dma_start3A_69 : memref<128xi32, #tpu.memory_space<vmem>>) semaphore(%run_scoped3A_67 : memref<!tpu.dma_semaphore, #tpu.memory_space<semaphore_mem>>) {add = true}
        %dma_wait3A = arith.constant 0 : i32
        %dma_wait3A_73 = tpu.memref_slice %arg6[%run_scoped3A_66, %dma_wait3A] : memref<1x128xi32, #tpu.memory_space<vmem>> -> memref<1x128xi32, #tpu.memory_space<vmem>>
        %dma_wait3A_74 = tpu.memref_squeeze %dma_wait3A_73 : memref<1x128xi32, #tpu.memory_space<vmem>> -> memref<128xi32, #tpu.memory_space<vmem>>
        %dma_wait3A_75 = arith.constant 0 : i32
        %dma_wait3A_76 = arith.constant 0 : i32
        %dma_wait3A_77 = tpu.memref_slice %arg8[%dma_wait3A_75, %dma_wait3A_76] : memref<10000x128xf32, #tpu.memory_space<vmem_shared>> -> memref<10000x128xf32, #tpu.memory_space<vmem_shared>>
        tpu.wait_indirect_dma semaphore(%run_scoped3A_67 : memref<!tpu.dma_semaphore, #tpu.memory_space<semaphore_mem>>) src(%arg7 : memref<128x128xf32, #tpu.memory_space<vmem>>) dst(%dma_wait3A_77 : memref<10000x128xf32, #tpu.memory_space<vmem_shared>>)
        tpu.yield
      }) : () -> ()
    }
    %barrier3A_53 = arith.constant 0 : index
    tpu.barrier barrier_id(%barrier3A_53)
    "tpu.region"() ({
      %run_scoped3A = tpu.sem_alloc : memref<!tpu.dma_semaphore, #tpu.memory_space<semaphore_mem>>
      %dma_start3A = arith.constant 0 : i32
      %dma_start3A_60 = tpu.memref_slice %arg5[%add3A_29, %mul3A_0, %dma_start3A] : memref<4x10000x128xf32, #tpu.memory_space<hbm>> -> memref<1x624x128xf32, #tpu.memory_space<hbm>>
      %dma_start3A_61 = tpu.memref_squeeze %dma_start3A_60 : memref<1x624x128xf32, #tpu.memory_space<hbm>> -> memref<624x128xf32, #tpu.memory_space<hbm>>
      %dma_start3A_62 = arith.constant 0 : i32
      %dma_start3A_63 = tpu.memref_slice %arg8[%mul3A_0, %dma_start3A_62] : memref<10000x128xf32, #tpu.memory_space<vmem_shared>> -> memref<624x128xf32, #tpu.memory_space<vmem_shared>>
      tpu.enqueue_dma source(%dma_start3A_63 : memref<624x128xf32, #tpu.memory_space<vmem_shared>>) target(%dma_start3A_61 : memref<624x128xf32, #tpu.memory_space<hbm>>) target_semaphore(%run_scoped3A : memref<!tpu.dma_semaphore, #tpu.memory_space<semaphore_mem>>)
      %dma_wait3A = arith.constant 0 : i32
      %dma_wait3A_64 = tpu.memref_slice %arg5[%add3A_29, %mul3A_0, %dma_wait3A] : memref<4x10000x128xf32, #tpu.memory_space<hbm>> -> memref<1x624x128xf32, #tpu.memory_space<hbm>>
      %dma_wait3A_65 = tpu.memref_squeeze %dma_wait3A_64 : memref<1x624x128xf32, #tpu.memory_space<hbm>> -> memref<624x128xf32, #tpu.memory_space<hbm>>
      %dma_wait3A_66 = arith.constant 0 : i32
      %dma_wait3A_67 = tpu.memref_slice %arg8[%mul3A_0, %dma_wait3A_66] : memref<10000x128xf32, #tpu.memory_space<vmem_shared>> -> memref<624x128xf32, #tpu.memory_space<vmem_shared>>
      tpu.wait_dma2 semaphore(%run_scoped3A : memref<!tpu.dma_semaphore, #tpu.memory_space<semaphore_mem>>) src(%dma_wait3A_67 : memref<624x128xf32, #tpu.memory_space<vmem_shared>>) dst(%dma_wait3A_65 : memref<624x128xf32, #tpu.memory_space<hbm>>)
      tpu.yield
    }) : () -> ()
    %eq3A_54 = arith.constant 15 : i32
    %eq3A_55 = arith.cmpi eq, %arg1, %eq3A_54 : i32
    %convert_element_type3A_56 = arith.extui %eq3A_55 : i1 to i32
    %cond3A_57 = arith.constant 0 : i32
    %cond3A_58 = arith.cmpi ne, %convert_element_type3A_56, %cond3A_57 : i32
    scf.if %cond3A_58 {
      "tpu.region"() ({
        %run_scoped3A = tpu.sem_alloc : memref<!tpu.dma_semaphore, #tpu.memory_space<semaphore_mem>>
        %dma_start3A = arith.constant 9984 : i32
        %dma_start3A_60 = arith.constant 0 : i32
        %dma_start3A_61 = tpu.memref_slice %arg5[%add3A_29, %dma_start3A, %dma_start3A_60] : memref<4x10000x128xf32, #tpu.memory_space<hbm>> -> memref<1x16x128xf32, #tpu.memory_space<hbm>>
        %dma_start3A_62 = tpu.memref_squeeze %dma_start3A_61 : memref<1x16x128xf32, #tpu.memory_space<hbm>> -> memref<16x128xf32, #tpu.memory_space<hbm>>
        %dma_start3A_63 = arith.constant 9984 : i32
        %dma_start3A_64 = arith.constant 0 : i32
        %dma_start3A_65 = tpu.memref_slice %arg8[%dma_start3A_63, %dma_start3A_64] : memref<10000x128xf32, #tpu.memory_space<vmem_shared>> -> memref<16x128xf32, #tpu.memory_space<vmem_shared>>
        tpu.enqueue_dma source(%dma_start3A_65 : memref<16x128xf32, #tpu.memory_space<vmem_shared>>) target(%dma_start3A_62 : memref<16x128xf32, #tpu.memory_space<hbm>>) target_semaphore(%run_scoped3A : memref<!tpu.dma_semaphore, #tpu.memory_space<semaphore_mem>>)
        %dma_wait3A = arith.constant 9984 : i32
        %dma_wait3A_66 = arith.constant 0 : i32
        %dma_wait3A_67 = tpu.memref_slice %arg5[%add3A_29, %dma_wait3A, %dma_wait3A_66] : memref<4x10000x128xf32, #tpu.memory_space<hbm>> -> memref<1x16x128xf32, #tpu.memory_space<hbm>>
        %dma_wait3A_68 = tpu.memref_squeeze %dma_wait3A_67 : memref<1x16x128xf32, #tpu.memory_space<hbm>> -> memref<16x128xf32, #tpu.memory_space<hbm>>
        %dma_wait3A_69 = arith.constant 9984 : i32
        %dma_wait3A_70 = arith.constant 0 : i32
        %dma_wait3A_71 = tpu.memref_slice %arg8[%dma_wait3A_69, %dma_wait3A_70] : memref<10000x128xf32, #tpu.memory_space<vmem_shared>> -> memref<16x128xf32, #tpu.memory_space<vmem_shared>>
        tpu.wait_dma2 semaphore(%run_scoped3A : memref<!tpu.dma_semaphore, #tpu.memory_space<semaphore_mem>>) src(%dma_wait3A_71 : memref<16x128xf32, #tpu.memory_space<vmem_shared>>) dst(%dma_wait3A_68 : memref<16x128xf32, #tpu.memory_space<hbm>>)
        tpu.yield
      }) : () -> ()
    } else {
    }
    %barrier3A_59 = arith.constant 0 : index
    tpu.barrier barrier_id(%barrier3A_59)
    return
  }
}

#map = affine_map<(d0, d1) -> (0, 0)>
#map1 = affine_map<(d0, d1) -> (0)>
module attributes {stable_mosaic.version = 14 : i64} {
  func.func @gk(%arg0: i32, %arg1: i32, %arg2: memref<10000x128xf32, #tpu.memory_space<hbm>>, %arg3: memref<160000xi32, #tpu.memory_space<hbm>>, %arg4: memref<160000xi32, #tpu.memory_space<hbm>>, %arg5: memref<160000x128xf32, #tpu.memory_space<hbm>>, %arg6: memref<160000x128xf32, #tpu.memory_space<hbm>>, %arg7: memref<128xi32, #tpu.memory_space<vmem>>, %arg8: memref<128xi32, #tpu.memory_space<vmem>>, %arg9: memref<128x128xf32, #tpu.memory_space<vmem>>, %arg10: memref<128x128xf32, #tpu.memory_space<vmem>>, %arg11: memref<!tpu.dma_semaphore, #tpu.memory_space<semaphore_mem>>, %arg12: memref<!tpu.dma_semaphore, #tpu.memory_space<semaphore_mem>>) attributes {dimension_semantics = [#tpu.dimension_semantics<core_parallel>, #tpu.dimension_semantics<subcore_parallel>], iteration_bounds = array<i64: 2, 16>, scalar_prefetch = 0 : i64, scratch_operands = 6 : i64, tpu.core_type = #tpu.core_type<sc_vector_subcore>, window_params = [{transform_indices = #map}, {transform_indices = #map1}, {transform_indices = #map1}, {transform_indices = #map}, {transform_indices = #map}]} {
    %mul3A = arith.constant 2 : i32
    %mul3A_0 = arith.muli %arg1, %mul3A : i32
    %add3A = arith.addi %mul3A_0, %arg0 : i32
    %lt3A = arith.constant 2 : i32
    %lt3A_1 = arith.cmpi slt, %add3A, %lt3A : i32
    %jit3A = arith.constant 1 : i32
    %jit3A_2 = arith.constant 0 : i32
    %select_n3A = arith.select %lt3A_1, %jit3A, %jit3A_2 : i32
    %add3A_3 = arith.constant 39 : i32
    %add3A_4 = arith.addi %add3A_3, %select_n3A : i32
    %while3A = arith.constant 0 : i32
    %while3A_5 = arith.constant 0 : i32
    %while3A_6 = arith.subi %add3A_4, %while3A_5 : i32
    %while3A_7 = arith.addi %while3A_5, %while3A_6 : i32
    %while3A_8 = arith.constant 1 : i32
    %while3A_9 = arith.divsi %while3A_6, %while3A_8 : i32
    %while3A_10 = arith.muli %while3A_9, %while3A_8 : i32
    %while3A_11 = arith.addi %while3A_5, %while3A_10 : i32
    %while3A_12 = arith.constant 1 : i32
    scf.for %while3A_14 = %while3A_5 to %while3A_11 step %while3A_12  : i32 {
      %mul3A_15 = arith.constant 32 : i32
      %mul3A_16 = arith.muli %while3A_14, %mul3A_15 : i32
      %add3A_17 = arith.addi %add3A, %mul3A_16 : i32
      %mul3A_18 = arith.constant 128 : i32
      %mul3A_19 = arith.muli %add3A_17, %mul3A_18 : i32
      "tpu.region"() ({
        %run_scoped3A = tpu.sem_alloc : memref<!tpu.dma_semaphore, #tpu.memory_space<semaphore_mem>>
        %dma_start3A_30 = tpu.memref_slice %arg3[%mul3A_19] : memref<160000xi32, #tpu.memory_space<hbm>> -> memref<128xi32, #tpu.memory_space<hbm>>
        %dma_start3A_31 = tpu.memref_slice %arg3[%mul3A_19] : memref<160000xi32, #tpu.memory_space<hbm>> -> memref<128xi32, #tpu.memory_space<hbm>>
        tpu.enqueue_dma source(%dma_start3A_31 : memref<128xi32, #tpu.memory_space<hbm>>) target(%arg7 : memref<128xi32, #tpu.memory_space<vmem>>) target_semaphore(%run_scoped3A : memref<!tpu.dma_semaphore, #tpu.memory_space<semaphore_mem>>)
        %dma_wait3A_32 = tpu.memref_slice %arg3[%mul3A_19] : memref<160000xi32, #tpu.memory_space<hbm>> -> memref<128xi32, #tpu.memory_space<hbm>>
        %dma_wait3A_33 = tpu.memref_slice %arg3[%mul3A_19] : memref<160000xi32, #tpu.memory_space<hbm>> -> memref<128xi32, #tpu.memory_space<hbm>>
        tpu.wait_dma2 semaphore(%run_scoped3A : memref<!tpu.dma_semaphore, #tpu.memory_space<semaphore_mem>>) src(%dma_wait3A_33 : memref<128xi32, #tpu.memory_space<hbm>>) dst(%arg7 : memref<128xi32, #tpu.memory_space<vmem>>)
        tpu.yield
      }) : () -> ()
      "tpu.region"() ({
        %run_scoped3A = tpu.sem_alloc : memref<!tpu.dma_semaphore, #tpu.memory_space<semaphore_mem>>
        %dma_start3A_30 = tpu.memref_slice %arg4[%mul3A_19] : memref<160000xi32, #tpu.memory_space<hbm>> -> memref<128xi32, #tpu.memory_space<hbm>>
        %dma_start3A_31 = tpu.memref_slice %arg4[%mul3A_19] : memref<160000xi32, #tpu.memory_space<hbm>> -> memref<128xi32, #tpu.memory_space<hbm>>
        tpu.enqueue_dma source(%dma_start3A_31 : memref<128xi32, #tpu.memory_space<hbm>>) target(%arg8 : memref<128xi32, #tpu.memory_space<vmem>>) target_semaphore(%run_scoped3A : memref<!tpu.dma_semaphore, #tpu.memory_space<semaphore_mem>>)
        %dma_wait3A_32 = tpu.memref_slice %arg4[%mul3A_19] : memref<160000xi32, #tpu.memory_space<hbm>> -> memref<128xi32, #tpu.memory_space<hbm>>
        %dma_wait3A_33 = tpu.memref_slice %arg4[%mul3A_19] : memref<160000xi32, #tpu.memory_space<hbm>> -> memref<128xi32, #tpu.memory_space<hbm>>
        tpu.wait_dma2 semaphore(%run_scoped3A : memref<!tpu.dma_semaphore, #tpu.memory_space<semaphore_mem>>) src(%dma_wait3A_33 : memref<128xi32, #tpu.memory_space<hbm>>) dst(%arg8 : memref<128xi32, #tpu.memory_space<vmem>>)
        tpu.yield
      }) : () -> ()
      %dma_start3A = arith.constant 0 : i32
      %dma_start3A_20 = arith.constant 0 : i32
      %dma_start3A_21 = tpu.memref_slice %arg2[%dma_start3A, %dma_start3A_20] : memref<10000x128xf32, #tpu.memory_space<hbm>> -> memref<10000x128xf32, #tpu.memory_space<hbm>>
      tpu.enqueue_indirect_dma source(%dma_start3A_21 : memref<10000x128xf32, #tpu.memory_space<hbm>>) target(%arg9 : memref<128x128xf32, #tpu.memory_space<vmem>>) offsets(%arg7 : memref<128xi32, #tpu.memory_space<vmem>>) semaphore(%arg11 : memref<!tpu.dma_semaphore, #tpu.memory_space<semaphore_mem>>)
      %dma_start3A_22 = arith.constant 0 : i32
      %dma_start3A_23 = arith.constant 0 : i32
      %dma_start3A_24 = tpu.memref_slice %arg2[%dma_start3A_22, %dma_start3A_23] : memref<10000x128xf32, #tpu.memory_space<hbm>> -> memref<10000x128xf32, #tpu.memory_space<hbm>>
      tpu.enqueue_indirect_dma source(%dma_start3A_24 : memref<10000x128xf32, #tpu.memory_space<hbm>>) target(%arg10 : memref<128x128xf32, #tpu.memory_space<vmem>>) offsets(%arg8 : memref<128xi32, #tpu.memory_space<vmem>>) semaphore(%arg12 : memref<!tpu.dma_semaphore, #tpu.memory_space<semaphore_mem>>)
      %dma_wait3A = arith.constant 0 : i32
      %dma_wait3A_25 = arith.constant 0 : i32
      %dma_wait3A_26 = tpu.memref_slice %arg2[%dma_wait3A, %dma_wait3A_25] : memref<10000x128xf32, #tpu.memory_space<hbm>> -> memref<10000x128xf32, #tpu.memory_space<hbm>>
      tpu.wait_indirect_dma semaphore(%arg11 : memref<!tpu.dma_semaphore, #tpu.memory_space<semaphore_mem>>) src(%dma_wait3A_26 : memref<10000x128xf32, #tpu.memory_space<hbm>>) dst(%arg9 : memref<128x128xf32, #tpu.memory_space<vmem>>)
      %dma_wait3A_27 = arith.constant 0 : i32
      %dma_wait3A_28 = arith.constant 0 : i32
      %dma_wait3A_29 = tpu.memref_slice %arg2[%dma_wait3A_27, %dma_wait3A_28] : memref<10000x128xf32, #tpu.memory_space<hbm>> -> memref<10000x128xf32, #tpu.memory_space<hbm>>
      tpu.wait_indirect_dma semaphore(%arg12 : memref<!tpu.dma_semaphore, #tpu.memory_space<semaphore_mem>>) src(%dma_wait3A_29 : memref<10000x128xf32, #tpu.memory_space<hbm>>) dst(%arg10 : memref<128x128xf32, #tpu.memory_space<vmem>>)
      "tpu.region"() ({
        %run_scoped3A = tpu.sem_alloc : memref<!tpu.dma_semaphore, #tpu.memory_space<semaphore_mem>>
        %dma_start3A_30 = arith.constant 0 : i32
        %dma_start3A_31 = tpu.memref_slice %arg5[%mul3A_19, %dma_start3A_30] : memref<160000x128xf32, #tpu.memory_space<hbm>> -> memref<128x128xf32, #tpu.memory_space<hbm>>
        %dma_start3A_32 = arith.constant 0 : i32
        %dma_start3A_33 = tpu.memref_slice %arg5[%mul3A_19, %dma_start3A_32] : memref<160000x128xf32, #tpu.memory_space<hbm>> -> memref<128x128xf32, #tpu.memory_space<hbm>>
        tpu.enqueue_dma source(%arg9 : memref<128x128xf32, #tpu.memory_space<vmem>>) target(%dma_start3A_33 : memref<128x128xf32, #tpu.memory_space<hbm>>) target_semaphore(%run_scoped3A : memref<!tpu.dma_semaphore, #tpu.memory_space<semaphore_mem>>)
        %dma_wait3A_34 = arith.constant 0 : i32
        %dma_wait3A_35 = tpu.memref_slice %arg5[%mul3A_19, %dma_wait3A_34] : memref<160000x128xf32, #tpu.memory_space<hbm>> -> memref<128x128xf32, #tpu.memory_space<hbm>>
        %dma_wait3A_36 = arith.constant 0 : i32
        %dma_wait3A_37 = tpu.memref_slice %arg5[%mul3A_19, %dma_wait3A_36] : memref<160000x128xf32, #tpu.memory_space<hbm>> -> memref<128x128xf32, #tpu.memory_space<hbm>>
        tpu.wait_dma2 semaphore(%run_scoped3A : memref<!tpu.dma_semaphore, #tpu.memory_space<semaphore_mem>>) src(%arg9 : memref<128x128xf32, #tpu.memory_space<vmem>>) dst(%dma_wait3A_37 : memref<128x128xf32, #tpu.memory_space<hbm>>)
        tpu.yield
      }) : () -> ()
      "tpu.region"() ({
        %run_scoped3A = tpu.sem_alloc : memref<!tpu.dma_semaphore, #tpu.memory_space<semaphore_mem>>
        %dma_start3A_30 = arith.constant 0 : i32
        %dma_start3A_31 = tpu.memref_slice %arg6[%mul3A_19, %dma_start3A_30] : memref<160000x128xf32, #tpu.memory_space<hbm>> -> memref<128x128xf32, #tpu.memory_space<hbm>>
        %dma_start3A_32 = arith.constant 0 : i32
        %dma_start3A_33 = tpu.memref_slice %arg6[%mul3A_19, %dma_start3A_32] : memref<160000x128xf32, #tpu.memory_space<hbm>> -> memref<128x128xf32, #tpu.memory_space<hbm>>
        tpu.enqueue_dma source(%arg10 : memref<128x128xf32, #tpu.memory_space<vmem>>) target(%dma_start3A_33 : memref<128x128xf32, #tpu.memory_space<hbm>>) target_semaphore(%run_scoped3A : memref<!tpu.dma_semaphore, #tpu.memory_space<semaphore_mem>>)
        %dma_wait3A_34 = arith.constant 0 : i32
        %dma_wait3A_35 = tpu.memref_slice %arg6[%mul3A_19, %dma_wait3A_34] : memref<160000x128xf32, #tpu.memory_space<hbm>> -> memref<128x128xf32, #tpu.memory_space<hbm>>
        %dma_wait3A_36 = arith.constant 0 : i32
        %dma_wait3A_37 = tpu.memref_slice %arg6[%mul3A_19, %dma_wait3A_36] : memref<160000x128xf32, #tpu.memory_space<hbm>> -> memref<128x128xf32, #tpu.memory_space<hbm>>
        tpu.wait_dma2 semaphore(%run_scoped3A : memref<!tpu.dma_semaphore, #tpu.memory_space<semaphore_mem>>) src(%arg10 : memref<128x128xf32, #tpu.memory_space<vmem>>) dst(%dma_wait3A_37 : memref<128x128xf32, #tpu.memory_space<hbm>>)
        tpu.yield
      }) : () -> ()
    }
    %while3A_13 = arith.constant 1 : i32
    scf.for %while3A_14 = %while3A_11 to %while3A_7 step %while3A_13  : i32 {
      %mul3A_15 = arith.constant 32 : i32
      %mul3A_16 = arith.muli %while3A_14, %mul3A_15 : i32
      %add3A_17 = arith.addi %add3A, %mul3A_16 : i32
      %mul3A_18 = arith.constant 128 : i32
      %mul3A_19 = arith.muli %add3A_17, %mul3A_18 : i32
      "tpu.region"() ({
        %run_scoped3A = tpu.sem_alloc : memref<!tpu.dma_semaphore, #tpu.memory_space<semaphore_mem>>
        %dma_start3A_30 = tpu.memref_slice %arg3[%mul3A_19] : memref<160000xi32, #tpu.memory_space<hbm>> -> memref<128xi32, #tpu.memory_space<hbm>>
        %dma_start3A_31 = tpu.memref_slice %arg3[%mul3A_19] : memref<160000xi32, #tpu.memory_space<hbm>> -> memref<128xi32, #tpu.memory_space<hbm>>
        tpu.enqueue_dma source(%dma_start3A_31 : memref<128xi32, #tpu.memory_space<hbm>>) target(%arg7 : memref<128xi32, #tpu.memory_space<vmem>>) target_semaphore(%run_scoped3A : memref<!tpu.dma_semaphore, #tpu.memory_space<semaphore_mem>>)
        %dma_wait3A_32 = tpu.memref_slice %arg3[%mul3A_19] : memref<160000xi32, #tpu.memory_space<hbm>> -> memref<128xi32, #tpu.memory_space<hbm>>
        %dma_wait3A_33 = tpu.memref_slice %arg3[%mul3A_19] : memref<160000xi32, #tpu.memory_space<hbm>> -> memref<128xi32, #tpu.memory_space<hbm>>
        tpu.wait_dma2 semaphore(%run_scoped3A : memref<!tpu.dma_semaphore, #tpu.memory_space<semaphore_mem>>) src(%dma_wait3A_33 : memref<128xi32, #tpu.memory_space<hbm>>) dst(%arg7 : memref<128xi32, #tpu.memory_space<vmem>>)
        tpu.yield
      }) : () -> ()
      "tpu.region"() ({
        %run_scoped3A = tpu.sem_alloc : memref<!tpu.dma_semaphore, #tpu.memory_space<semaphore_mem>>
        %dma_start3A_30 = tpu.memref_slice %arg4[%mul3A_19] : memref<160000xi32, #tpu.memory_space<hbm>> -> memref<128xi32, #tpu.memory_space<hbm>>
        %dma_start3A_31 = tpu.memref_slice %arg4[%mul3A_19] : memref<160000xi32, #tpu.memory_space<hbm>> -> memref<128xi32, #tpu.memory_space<hbm>>
        tpu.enqueue_dma source(%dma_start3A_31 : memref<128xi32, #tpu.memory_space<hbm>>) target(%arg8 : memref<128xi32, #tpu.memory_space<vmem>>) target_semaphore(%run_scoped3A : memref<!tpu.dma_semaphore, #tpu.memory_space<semaphore_mem>>)
        %dma_wait3A_32 = tpu.memref_slice %arg4[%mul3A_19] : memref<160000xi32, #tpu.memory_space<hbm>> -> memref<128xi32, #tpu.memory_space<hbm>>
        %dma_wait3A_33 = tpu.memref_slice %arg4[%mul3A_19] : memref<160000xi32, #tpu.memory_space<hbm>> -> memref<128xi32, #tpu.memory_space<hbm>>
        tpu.wait_dma2 semaphore(%run_scoped3A : memref<!tpu.dma_semaphore, #tpu.memory_space<semaphore_mem>>) src(%dma_wait3A_33 : memref<128xi32, #tpu.memory_space<hbm>>) dst(%arg8 : memref<128xi32, #tpu.memory_space<vmem>>)
        tpu.yield
      }) : () -> ()
      %dma_start3A = arith.constant 0 : i32
      %dma_start3A_20 = arith.constant 0 : i32
      %dma_start3A_21 = tpu.memref_slice %arg2[%dma_start3A, %dma_start3A_20] : memref<10000x128xf32, #tpu.memory_space<hbm>> -> memref<10000x128xf32, #tpu.memory_space<hbm>>
      tpu.enqueue_indirect_dma source(%dma_start3A_21 : memref<10000x128xf32, #tpu.memory_space<hbm>>) target(%arg9 : memref<128x128xf32, #tpu.memory_space<vmem>>) offsets(%arg7 : memref<128xi32, #tpu.memory_space<vmem>>) semaphore(%arg11 : memref<!tpu.dma_semaphore, #tpu.memory_space<semaphore_mem>>)
      %dma_start3A_22 = arith.constant 0 : i32
      %dma_start3A_23 = arith.constant 0 : i32
      %dma_start3A_24 = tpu.memref_slice %arg2[%dma_start3A_22, %dma_start3A_23] : memref<10000x128xf32, #tpu.memory_space<hbm>> -> memref<10000x128xf32, #tpu.memory_space<hbm>>
      tpu.enqueue_indirect_dma source(%dma_start3A_24 : memref<10000x128xf32, #tpu.memory_space<hbm>>) target(%arg10 : memref<128x128xf32, #tpu.memory_space<vmem>>) offsets(%arg8 : memref<128xi32, #tpu.memory_space<vmem>>) semaphore(%arg12 : memref<!tpu.dma_semaphore, #tpu.memory_space<semaphore_mem>>)
      %dma_wait3A = arith.constant 0 : i32
      %dma_wait3A_25 = arith.constant 0 : i32
      %dma_wait3A_26 = tpu.memref_slice %arg2[%dma_wait3A, %dma_wait3A_25] : memref<10000x128xf32, #tpu.memory_space<hbm>> -> memref<10000x128xf32, #tpu.memory_space<hbm>>
      tpu.wait_indirect_dma semaphore(%arg11 : memref<!tpu.dma_semaphore, #tpu.memory_space<semaphore_mem>>) src(%dma_wait3A_26 : memref<10000x128xf32, #tpu.memory_space<hbm>>) dst(%arg9 : memref<128x128xf32, #tpu.memory_space<vmem>>)
      %dma_wait3A_27 = arith.constant 0 : i32
      %dma_wait3A_28 = arith.constant 0 : i32
      %dma_wait3A_29 = tpu.memref_slice %arg2[%dma_wait3A_27, %dma_wait3A_28] : memref<10000x128xf32, #tpu.memory_space<hbm>> -> memref<10000x128xf32, #tpu.memory_space<hbm>>
      tpu.wait_indirect_dma semaphore(%arg12 : memref<!tpu.dma_semaphore, #tpu.memory_space<semaphore_mem>>) src(%dma_wait3A_29 : memref<10000x128xf32, #tpu.memory_space<hbm>>) dst(%arg10 : memref<128x128xf32, #tpu.memory_space<vmem>>)
      "tpu.region"() ({
        %run_scoped3A = tpu.sem_alloc : memref<!tpu.dma_semaphore, #tpu.memory_space<semaphore_mem>>
        %dma_start3A_30 = arith.constant 0 : i32
        %dma_start3A_31 = tpu.memref_slice %arg5[%mul3A_19, %dma_start3A_30] : memref<160000x128xf32, #tpu.memory_space<hbm>> -> memref<128x128xf32, #tpu.memory_space<hbm>>
        %dma_start3A_32 = arith.constant 0 : i32
        %dma_start3A_33 = tpu.memref_slice %arg5[%mul3A_19, %dma_start3A_32] : memref<160000x128xf32, #tpu.memory_space<hbm>> -> memref<128x128xf32, #tpu.memory_space<hbm>>
        tpu.enqueue_dma source(%arg9 : memref<128x128xf32, #tpu.memory_space<vmem>>) target(%dma_start3A_33 : memref<128x128xf32, #tpu.memory_space<hbm>>) target_semaphore(%run_scoped3A : memref<!tpu.dma_semaphore, #tpu.memory_space<semaphore_mem>>)
        %dma_wait3A_34 = arith.constant 0 : i32
        %dma_wait3A_35 = tpu.memref_slice %arg5[%mul3A_19, %dma_wait3A_34] : memref<160000x128xf32, #tpu.memory_space<hbm>> -> memref<128x128xf32, #tpu.memory_space<hbm>>
        %dma_wait3A_36 = arith.constant 0 : i32
        %dma_wait3A_37 = tpu.memref_slice %arg5[%mul3A_19, %dma_wait3A_36] : memref<160000x128xf32, #tpu.memory_space<hbm>> -> memref<128x128xf32, #tpu.memory_space<hbm>>
        tpu.wait_dma2 semaphore(%run_scoped3A : memref<!tpu.dma_semaphore, #tpu.memory_space<semaphore_mem>>) src(%arg9 : memref<128x128xf32, #tpu.memory_space<vmem>>) dst(%dma_wait3A_37 : memref<128x128xf32, #tpu.memory_space<hbm>>)
        tpu.yield
      }) : () -> ()
      "tpu.region"() ({
        %run_scoped3A = tpu.sem_alloc : memref<!tpu.dma_semaphore, #tpu.memory_space<semaphore_mem>>
        %dma_start3A_30 = arith.constant 0 : i32
        %dma_start3A_31 = tpu.memref_slice %arg6[%mul3A_19, %dma_start3A_30] : memref<160000x128xf32, #tpu.memory_space<hbm>> -> memref<128x128xf32, #tpu.memory_space<hbm>>
        %dma_start3A_32 = arith.constant 0 : i32
        %dma_start3A_33 = tpu.memref_slice %arg6[%mul3A_19, %dma_start3A_32] : memref<160000x128xf32, #tpu.memory_space<hbm>> -> memref<128x128xf32, #tpu.memory_space<hbm>>
        tpu.enqueue_dma source(%arg10 : memref<128x128xf32, #tpu.memory_space<vmem>>) target(%dma_start3A_33 : memref<128x128xf32, #tpu.memory_space<hbm>>) target_semaphore(%run_scoped3A : memref<!tpu.dma_semaphore, #tpu.memory_space<semaphore_mem>>)
        %dma_wait3A_34 = arith.constant 0 : i32
        %dma_wait3A_35 = tpu.memref_slice %arg6[%mul3A_19, %dma_wait3A_34] : memref<160000x128xf32, #tpu.memory_space<hbm>> -> memref<128x128xf32, #tpu.memory_space<hbm>>
        %dma_wait3A_36 = arith.constant 0 : i32
        %dma_wait3A_37 = tpu.memref_slice %arg6[%mul3A_19, %dma_wait3A_36] : memref<160000x128xf32, #tpu.memory_space<hbm>> -> memref<128x128xf32, #tpu.memory_space<hbm>>
        tpu.wait_dma2 semaphore(%run_scoped3A : memref<!tpu.dma_semaphore, #tpu.memory_space<semaphore_mem>>) src(%arg10 : memref<128x128xf32, #tpu.memory_space<vmem>>) dst(%dma_wait3A_37 : memref<128x128xf32, #tpu.memory_space<hbm>>)
        tpu.yield
      }) : () -> ()
    }
    return
  }
}

module attributes {stable_mosaic.version = 14 : i64} {
  func.func @_edge_body(%arg0: i32, %arg1: memref<2000x128xf32, #tpu.memory_space<vmem>>, %arg2: memref<2000x128xf32, #tpu.memory_space<vmem>>, %arg3: memref<2000x16xf32, #tpu.memory_space<vmem>>, %arg4: memref<2000x4xf32, #tpu.memory_space<vmem>>, %arg5: memref<128x32xf32, #tpu.memory_space<vmem>>, %arg6: memref<128x32xf32, #tpu.memory_space<vmem>>, %arg7: memref<1x32xf32, #tpu.memory_space<vmem>>, %arg8: memref<32x256xf32, #tpu.memory_space<vmem>>, %arg9: memref<1x256xf32, #tpu.memory_space<vmem>>, %arg10: memref<16x32xf32, #tpu.memory_space<vmem>>, %arg11: memref<1x32xf32, #tpu.memory_space<vmem>>, %arg12: memref<32x256xf32, #tpu.memory_space<vmem>>, %arg13: memref<1x256xf32, #tpu.memory_space<vmem>>, %arg14: memref<4x2000x128xf32, #tpu.memory_space<vmem>>) attributes {dimension_semantics = [#tpu.dimension_semantics<arbitrary>], iteration_bounds = array<i64: 80>, scalar_prefetch = 0 : i64, scratch_operands = 0 : i64, tpu.core_type = #tpu.core_type<tc>, window_params = [{transform_indices = @transform_0, window_bounds = array<i64: 2000, 128>}, {transform_indices = @transform_1, window_bounds = array<i64: 2000, 128>}, {transform_indices = @transform_2, window_bounds = array<i64: 2000, 16>}, {transform_indices = @transform_3, window_bounds = array<i64: 2000, 4>}, {pipeline_mode = #tpu.pipeline_mode<synchronous>, transform_indices = @transform_4, window_bounds = array<i64: 128, 32>}, {pipeline_mode = #tpu.pipeline_mode<synchronous>, transform_indices = @transform_5, window_bounds = array<i64: 128, 32>}, {pipeline_mode = #tpu.pipeline_mode<synchronous>, transform_indices = @transform_6, window_bounds = array<i64: 1, 32>}, {pipeline_mode = #tpu.pipeline_mode<synchronous>, transform_indices = @transform_7, window_bounds = array<i64: 32, 256>}, {pipeline_mode = #tpu.pipeline_mode<synchronous>, transform_indices = @transform_8, window_bounds = array<i64: 1, 256>}, {pipeline_mode = #tpu.pipeline_mode<synchronous>, transform_indices = @transform_9, window_bounds = array<i64: 16, 32>}, {pipeline_mode = #tpu.pipeline_mode<synchronous>, transform_indices = @transform_10, window_bounds = array<i64: 1, 32>}, {pipeline_mode = #tpu.pipeline_mode<synchronous>, transform_indices = @transform_11, window_bounds = array<i64: 32, 256>}, {pipeline_mode = #tpu.pipeline_mode<synchronous>, transform_indices = @transform_12, window_bounds = array<i64: 1, 256>}, {transform_indices = @transform_13, window_bounds = array<i64: 4, 2000, 128>}]} {
    %get3A = arith.constant 0 : index
    %get3A_0 = arith.constant 0 : index
    %get3A_1 = vector.load %arg1[%get3A, %get3A_0] : memref<2000x128xf32, #tpu.memory_space<vmem>>, vector<2000x128xf32>
    %get3A_2 = arith.constant 0 : index
    %get3A_3 = arith.constant 0 : index
    %get3A_4 = vector.load %arg2[%get3A_2, %get3A_3] : memref<2000x128xf32, #tpu.memory_space<vmem>>, vector<2000x128xf32>
    %get3A_5 = arith.constant 0 : index
    %get3A_6 = arith.constant 0 : index
    %get3A_7 = vector.load %arg5[%get3A_5, %get3A_6] : memref<128x32xf32, #tpu.memory_space<vmem>>, vector<128x32xf32>
    %dot_general3A = arith.constant dense<0.000000e+00> : vector<2000x32xf32>
    %dot_general3A_8 = tpu.matmul %get3A_1, %get3A_7, %dot_general3A {dimension_numbers = #tpu.dot_dimension_numbers<[1], [0], [0], [1], [0, 0, 1, 1], [], []>, transpose_lhs_hint = false} : vector<2000x128xf32>, vector<128x32xf32>, vector<2000x32xf32> -> vector<2000x32xf32>
    %get3A_9 = arith.constant 0 : index
    %get3A_10 = arith.constant 0 : index
    %get3A_11 = vector.load %arg6[%get3A_9, %get3A_10] : memref<128x32xf32, #tpu.memory_space<vmem>>, vector<128x32xf32>
    %dot_general3A_12 = arith.constant dense<0.000000e+00> : vector<2000x32xf32>
    %dot_general3A_13 = tpu.matmul %get3A_4, %get3A_11, %dot_general3A_12 {dimension_numbers = #tpu.dot_dimension_numbers<[1], [0], [0], [1], [0, 0, 1, 1], [], []>, transpose_lhs_hint = false} : vector<2000x128xf32>, vector<128x32xf32>, vector<2000x32xf32> -> vector<2000x32xf32>
    %add3A = arith.addf %dot_general3A_8, %dot_general3A_13 : vector<2000x32xf32>
    %get3A_14 = arith.constant 0 : index
    %get3A_15 = arith.constant 0 : index
    %get3A_16 = vector.load %arg7[%get3A_14, %get3A_15] : memref<1x32xf32, #tpu.memory_space<vmem>>, vector<1x32xf32>
    %add3A_17 = vector.broadcast %get3A_16 : vector<1x32xf32> to vector<2000x32xf32>
    %add3A_18 = arith.addf %add3A, %add3A_17 : vector<2000x32xf32>
    %logistic3A = arith.negf %add3A_18 : vector<2000x32xf32>
    %logistic3A_19 = math.exp %logistic3A : vector<2000x32xf32>
    %logistic3A_20 = arith.constant 1.000000e+00 : f32
    %logistic3A_21 = vector.broadcast %logistic3A_20 : f32 to vector<2000x32xf32>
    %logistic3A_22 = arith.addf %logistic3A_21, %logistic3A_19 : vector<2000x32xf32>
    %logistic3A_23 = arith.divf %logistic3A_21, %logistic3A_22 : vector<2000x32xf32>
    %mul3A = arith.mulf %add3A_18, %logistic3A_23 : vector<2000x32xf32>
    %get3A_24 = arith.constant 0 : index
    %get3A_25 = arith.constant 0 : index
    %get3A_26 = vector.load %arg8[%get3A_24, %get3A_25] : memref<32x256xf32, #tpu.memory_space<vmem>>, vector<32x256xf32>
    %dot_general3A_27 = arith.constant dense<0.000000e+00> : vector<2000x256xf32>
    %dot_general3A_28 = tpu.matmul %mul3A, %get3A_26, %dot_general3A_27 {dimension_numbers = #tpu.dot_dimension_numbers<[1], [0], [0], [1], [0, 0, 1, 1], [], []>, transpose_lhs_hint = false} : vector<2000x32xf32>, vector<32x256xf32>, vector<2000x256xf32> -> vector<2000x256xf32>
    %get3A_29 = arith.constant 0 : index
    %get3A_30 = arith.constant 0 : index
    %get3A_31 = vector.load %arg9[%get3A_29, %get3A_30] : memref<1x256xf32, #tpu.memory_space<vmem>>, vector<1x256xf32>
    %add3A_32 = vector.broadcast %get3A_31 : vector<1x256xf32> to vector<2000x256xf32>
    %add3A_33 = arith.addf %dot_general3A_28, %add3A_32 : vector<2000x256xf32>
    %get3A_34 = arith.constant 0 : index
    %get3A_35 = arith.constant 0 : index
    %get3A_36 = vector.load %arg3[%get3A_34, %get3A_35] : memref<2000x16xf32, #tpu.memory_space<vmem>>, vector<2000x16xf32>
    %get3A_37 = arith.constant 0 : index
    %get3A_38 = arith.constant 0 : index
    %get3A_39 = vector.load %arg10[%get3A_37, %get3A_38] : memref<16x32xf32, #tpu.memory_space<vmem>>, vector<16x32xf32>
    %dot_general3A_40 = arith.constant dense<0.000000e+00> : vector<2000x32xf32>
    %dot_general3A_41 = tpu.matmul %get3A_36, %get3A_39, %dot_general3A_40 {dimension_numbers = #tpu.dot_dimension_numbers<[1], [0], [0], [1], [0, 0, 1, 1], [], []>, transpose_lhs_hint = false} : vector<2000x16xf32>, vector<16x32xf32>, vector<2000x32xf32> -> vector<2000x32xf32>
    %get3A_42 = arith.constant 0 : index
    %get3A_43 = arith.constant 0 : index
    %get3A_44 = vector.load %arg11[%get3A_42, %get3A_43] : memref<1x32xf32, #tpu.memory_space<vmem>>, vector<1x32xf32>
    %add3A_45 = vector.broadcast %get3A_44 : vector<1x32xf32> to vector<2000x32xf32>
    %add3A_46 = arith.addf %dot_general3A_41, %add3A_45 : vector<2000x32xf32>
    %logistic3A_47 = arith.negf %add3A_46 : vector<2000x32xf32>
    %logistic3A_48 = math.exp %logistic3A_47 : vector<2000x32xf32>
    %logistic3A_49 = arith.constant 1.000000e+00 : f32
    %logistic3A_50 = vector.broadcast %logistic3A_49 : f32 to vector<2000x32xf32>
    %logistic3A_51 = arith.addf %logistic3A_50, %logistic3A_48 : vector<2000x32xf32>
    %logistic3A_52 = arith.divf %logistic3A_50, %logistic3A_51 : vector<2000x32xf32>
    %mul3A_53 = arith.mulf %add3A_46, %logistic3A_52 : vector<2000x32xf32>
    %get3A_54 = arith.constant 0 : index
    %get3A_55 = arith.constant 0 : index
    %get3A_56 = vector.load %arg12[%get3A_54, %get3A_55] : memref<32x256xf32, #tpu.memory_space<vmem>>, vector<32x256xf32>
    %dot_general3A_57 = arith.constant dense<0.000000e+00> : vector<2000x256xf32>
    %dot_general3A_58 = tpu.matmul %mul3A_53, %get3A_56, %dot_general3A_57 {dimension_numbers = #tpu.dot_dimension_numbers<[1], [0], [0], [1], [0, 0, 1, 1], [], []>, transpose_lhs_hint = false} : vector<2000x32xf32>, vector<32x256xf32>, vector<2000x256xf32> -> vector<2000x256xf32>
    %get3A_59 = arith.constant 0 : index
    %get3A_60 = arith.constant 0 : index
    %get3A_61 = vector.load %arg13[%get3A_59, %get3A_60] : memref<1x256xf32, #tpu.memory_space<vmem>>, vector<1x256xf32>
    %add3A_62 = vector.broadcast %get3A_61 : vector<1x256xf32> to vector<2000x256xf32>
    %add3A_63 = arith.addf %dot_general3A_58, %add3A_62 : vector<2000x256xf32>
    %mul3A_64 = arith.mulf %add3A_33, %add3A_63 : vector<2000x256xf32>
    %get3A_65 = arith.constant 0 : index
    %get3A_66 = arith.constant 0 : index
    %get3A_67 = vector.load %arg4[%get3A_65, %get3A_66] : memref<2000x4xf32, #tpu.memory_space<vmem>>, vector<2000x4xf32>
    %slice3A = vector.extract_strided_slice %mul3A_64 {offsets = [0, 128], sizes = [2000, 128], strides = [1, 1]} : vector<2000x256xf32> to vector<2000x128xf32>
    %mul3A_68 = arith.mulf %slice3A, %get3A_4 : vector<2000x128xf32>
    %slice3A_69 = vector.extract_strided_slice %mul3A_64 {offsets = [0, 0], sizes = [2000, 128], strides = [1, 1]} : vector<2000x256xf32> to vector<2000x128xf32>
    %mul3A_70 = arith.mulf %slice3A_69, %get3A_4 : vector<2000x128xf32>
    %slice3A_71 = vector.extract_strided_slice %get3A_67 {offsets = [0, 0], sizes = [2000, 1], strides = [1, 1]} : vector<2000x4xf32> to vector<2000x1xf32>
    %mul3A_72 = vector.broadcast %slice3A_71 : vector<2000x1xf32> to vector<2000x128xf32>
    %mul3A_73 = arith.mulf %mul3A_70, %mul3A_72 : vector<2000x128xf32>
    %swap3A = arith.constant 0 : index
    %swap3A_74 = arith.constant 0 : index
    %swap3A_75 = arith.constant 0 : index
    %swap3A_76 = vector.load %arg14[%swap3A, %swap3A_74, %swap3A_75] : memref<4x2000x128xf32, #tpu.memory_space<vmem>>, vector<1x2000x128xf32>
    %swap3A_77 = vector.shape_cast %swap3A_76 : vector<1x2000x128xf32> to vector<2000x128xf32>
    %swap3A_78 = vector.shape_cast %mul3A_73 : vector<2000x128xf32> to vector<1x2000x128xf32>
    tpu.vector_store %arg14[%swap3A, %swap3A_74, %swap3A_75], %swap3A_78 {strides = array<i32>} : memref<4x2000x128xf32, #tpu.memory_space<vmem>>, vector<1x2000x128xf32>,
    %slice3A_79 = vector.extract_strided_slice %get3A_67 {offsets = [0, 1], sizes = [2000, 1], strides = [1, 1]} : vector<2000x4xf32> to vector<2000x1xf32>
    %mul3A_80 = vector.broadcast %slice3A_79 : vector<2000x1xf32> to vector<2000x128xf32>
    %mul3A_81 = arith.mulf %mul3A_68, %mul3A_80 : vector<2000x128xf32>
    %swap3A_82 = arith.constant 1 : index
    %swap3A_83 = arith.constant 0 : index
    %swap3A_84 = arith.constant 0 : index
    %swap3A_85 = vector.load %arg14[%swap3A_82, %swap3A_83, %swap3A_84] : memref<4x2000x128xf32, #tpu.memory_space<vmem>>, vector<1x2000x128xf32>
    %swap3A_86 = vector.shape_cast %swap3A_85 : vector<1x2000x128xf32> to vector<2000x128xf32>
    %swap3A_87 = vector.shape_cast %mul3A_81 : vector<2000x128xf32> to vector<1x2000x128xf32>
    tpu.vector_store %arg14[%swap3A_82, %swap3A_83, %swap3A_84], %swap3A_87 {strides = array<i32>} : memref<4x2000x128xf32, #tpu.memory_space<vmem>>, vector<1x2000x128xf32>,
    %slice3A_88 = vector.extract_strided_slice %get3A_67 {offsets = [0, 2], sizes = [2000, 1], strides = [1, 1]} : vector<2000x4xf32> to vector<2000x1xf32>
    %mul3A_89 = vector.broadcast %slice3A_88 : vector<2000x1xf32> to vector<2000x128xf32>
    %mul3A_90 = arith.mulf %mul3A_68, %mul3A_89 : vector<2000x128xf32>
    %swap3A_91 = arith.constant 2 : index
    %swap3A_92 = arith.constant 0 : index
    %swap3A_93 = arith.constant 0 : index
    %swap3A_94 = vector.load %arg14[%swap3A_91, %swap3A_92, %swap3A_93] : memref<4x2000x128xf32, #tpu.memory_space<vmem>>, vector<1x2000x128xf32>
    %swap3A_95 = vector.shape_cast %swap3A_94 : vector<1x2000x128xf32> to vector<2000x128xf32>
    %swap3A_96 = vector.shape_cast %mul3A_90 : vector<2000x128xf32> to vector<1x2000x128xf32>
    tpu.vector_store %arg14[%swap3A_91, %swap3A_92, %swap3A_93], %swap3A_96 {strides = array<i32>} : memref<4x2000x128xf32, #tpu.memory_space<vmem>>, vector<1x2000x128xf32>,
    %slice3A_97 = vector.extract_strided_slice %get3A_67 {offsets = [0, 3], sizes = [2000, 1], strides = [1, 1]} : vector<2000x4xf32> to vector<2000x1xf32>
    %mul3A_98 = vector.broadcast %slice3A_97 : vector<2000x1xf32> to vector<2000x128xf32>
    %mul3A_99 = arith.mulf %mul3A_68, %mul3A_98 : vector<2000x128xf32>
    %swap3A_100 = arith.constant 3 : index
    %swap3A_101 = arith.constant 0 : index
    %swap3A_102 = arith.constant 0 : index
    %swap3A_103 = vector.load %arg14[%swap3A_100, %swap3A_101, %swap3A_102] : memref<4x2000x128xf32, #tpu.memory_space<vmem>>, vector<1x2000x128xf32>
    %swap3A_104 = vector.shape_cast %swap3A_103 : vector<1x2000x128xf32> to vector<2000x128xf32>
    %swap3A_105 = vector.shape_cast %mul3A_99 : vector<2000x128xf32> to vector<1x2000x128xf32>
    tpu.vector_store %arg14[%swap3A_100, %swap3A_101, %swap3A_102], %swap3A_105 {strides = array<i32>} : memref<4x2000x128xf32, #tpu.memory_space<vmem>>, vector<1x2000x128xf32>,
    return
  }
  func.func @transform_0(%arg0: i32) -> (i32, i32) {
    %c0_i32 = arith.constant 0 : i32
    %c0_i32_0 = arith.constant 0 : i32
    return %arg0, %c0_i32 : i32, i32
  }
  func.func @transform_1(%arg0: i32) -> (i32, i32) {
    %c0_i32 = arith.constant 0 : i32
    %c0_i32_0 = arith.constant 0 : i32
    return %arg0, %c0_i32 : i32, i32
  }
  func.func @transform_2(%arg0: i32) -> (i32, i32) {
    %c0_i32 = arith.constant 0 : i32
    %c0_i32_0 = arith.constant 0 : i32
    return %arg0, %c0_i32 : i32, i32
  }
  func.func @transform_3(%arg0: i32) -> (i32, i32) {
    %c0_i32 = arith.constant 0 : i32
    %c0_i32_0 = arith.constant 0 : i32
    return %arg0, %c0_i32 : i32, i32
  }
  func.func @transform_4(%arg0: i32) -> (i32, i32) {
    %c0_i32 = arith.constant 0 : i32
    %c0_i32_0 = arith.constant 0 : i32
    %c0_i32_1 = arith.constant 0 : i32
    return %c0_i32, %c0_i32_0 : i32, i32
  }
  func.func @transform_5(%arg0: i32) -> (i32, i32) {
    %c0_i32 = arith.constant 0 : i32
    %c0_i32_0 = arith.constant 0 : i32
    %c0_i32_1 = arith.constant 0 : i32
    return %c0_i32, %c0_i32_0 : i32, i32
  }
  func.func @transform_6(%arg0: i32) -> (i32, i32) {
    %c0_i32 = arith.constant 0 : i32
    %c0_i32_0 = arith.constant 0 : i32
    %c0_i32_1 = arith.constant 0 : i32
    return %c0_i32, %c0_i32_0 : i32, i32
  }
  func.func @transform_7(%arg0: i32) -> (i32, i32) {
    %c0_i32 = arith.constant 0 : i32
    %c0_i32_0 = arith.constant 0 : i32
    %c0_i32_1 = arith.constant 0 : i32
    return %c0_i32, %c0_i32_0 : i32, i32
  }
  func.func @transform_8(%arg0: i32) -> (i32, i32) {
    %c0_i32 = arith.constant 0 : i32
    %c0_i32_0 = arith.constant 0 : i32
    %c0_i32_1 = arith.constant 0 : i32
    return %c0_i32, %c0_i32_0 : i32, i32
  }
  func.func @transform_9(%arg0: i32) -> (i32, i32) {
    %c0_i32 = arith.constant 0 : i32
    %c0_i32_0 = arith.constant 0 : i32
    %c0_i32_1 = arith.constant 0 : i32
    return %c0_i32, %c0_i32_0 : i32, i32
  }
  func.func @transform_10(%arg0: i32) -> (i32, i32) {
    %c0_i32 = arith.constant 0 : i32
    %c0_i32_0 = arith.constant 0 : i32
    %c0_i32_1 = arith.constant 0 : i32
    return %c0_i32, %c0_i32_0 : i32, i32
  }
  func.func @transform_11(%arg0: i32) -> (i32, i32) {
    %c0_i32 = arith.constant 0 : i32
    %c0_i32_0 = arith.constant 0 : i32
    %c0_i32_1 = arith.constant 0 : i32
    return %c0_i32, %c0_i32_0 : i32, i32
  }
  func.func @transform_12(%arg0: i32) -> (i32, i32) {
    %c0_i32 = arith.constant 0 : i32
    %c0_i32_0 = arith.constant 0 : i32
    %c0_i32_1 = arith.constant 0 : i32
    return %c0_i32, %c0_i32_0 : i32, i32
  }
  func.func @transform_13(%arg0: i32) -> (i32, i32, i32) {
    %c0_i32 = arith.constant 0 : i32
    %c0_i32_0 = arith.constant 0 : i32
    %c0_i32_1 = arith.constant 0 : i32
    return %c0_i32, %arg0, %c0_i32_0 : i32, i32, i32
  }
}

module attributes {stable_mosaic.version = 14 : i64} {
  func.func @_final_body(%arg0: i32, %arg1: memref<4x2000x128xf32, #tpu.memory_space<vmem>>, %arg2: memref<128x128xf32, #tpu.memory_space<vmem>>, %arg3: memref<1x128xf32, #tpu.memory_space<vmem>>, %arg4: memref<128x128xf32, #tpu.memory_space<vmem>>, %arg5: memref<2000x128xf32, #tpu.memory_space<vmem>>, %arg6: memref<3x2000x128xf32, #tpu.memory_space<vmem>>) attributes {dimension_semantics = [#tpu.dimension_semantics<arbitrary>], iteration_bounds = array<i64: 5>, scalar_prefetch = 0 : i64, scratch_operands = 0 : i64, tpu.core_type = #tpu.core_type<tc>, window_params = [{transform_indices = @transform_0, window_bounds = array<i64: 4, 2000, 128>}, {pipeline_mode = #tpu.pipeline_mode<synchronous>, transform_indices = @transform_1, window_bounds = array<i64: 128, 128>}, {pipeline_mode = #tpu.pipeline_mode<synchronous>, transform_indices = @transform_2, window_bounds = array<i64: 1, 128>}, {pipeline_mode = #tpu.pipeline_mode<synchronous>, transform_indices = @transform_3, window_bounds = array<i64: 128, 128>}, {transform_indices = @transform_4, window_bounds = array<i64: 2000, 128>}, {transform_indices = @transform_5, window_bounds = array<i64: 3, 2000, 128>}]} {
    %get3A = arith.constant 0 : index
    %get3A_0 = arith.constant 0 : index
    %get3A_1 = arith.constant 0 : index
    %get3A_2 = vector.load %arg1[%get3A, %get3A_0, %get3A_1] : memref<4x2000x128xf32, #tpu.memory_space<vmem>>, vector<1x2000x128xf32>
    %get3A_3 = vector.shape_cast %get3A_2 : vector<1x2000x128xf32> to vector<2000x128xf32>
    %get3A_4 = arith.constant 0 : index
    %get3A_5 = arith.constant 0 : index
    %get3A_6 = vector.load %arg2[%get3A_4, %get3A_5] : memref<128x128xf32, #tpu.memory_space<vmem>>, vector<128x128xf32>
    %dot_general3A = arith.constant dense<0.000000e+00> : vector<2000x128xf32>
    %dot_general3A_7 = tpu.matmul %get3A_3, %get3A_6, %dot_general3A {dimension_numbers = #tpu.dot_dimension_numbers<[1], [0], [0], [1], [0, 0, 1, 1], [], []>, transpose_lhs_hint = false} : vector<2000x128xf32>, vector<128x128xf32>, vector<2000x128xf32> -> vector<2000x128xf32>
    %get3A_8 = arith.constant 0 : index
    %get3A_9 = arith.constant 0 : index
    %get3A_10 = vector.load %arg3[%get3A_8, %get3A_9] : memref<1x128xf32, #tpu.memory_space<vmem>>, vector<1x128xf32>
    %add3A = vector.broadcast %get3A_10 : vector<1x128xf32> to vector<2000x128xf32>
    %add3A_11 = arith.addf %dot_general3A_7, %add3A : vector<2000x128xf32>
    %swap3A = arith.constant 0 : index
    %swap3A_12 = arith.constant 0 : index
    %swap3A_13 = vector.load %arg5[%swap3A, %swap3A_12] : memref<2000x128xf32, #tpu.memory_space<vmem>>, vector<2000x128xf32>
    tpu.vector_store %arg5[%swap3A, %swap3A_12], %add3A_11 {strides = array<i32>} : memref<2000x128xf32, #tpu.memory_space<vmem>>, vector<2000x128xf32>,
    %get3A_14 = arith.constant 1 : index
    %get3A_15 = arith.constant 0 : index
    %get3A_16 = arith.constant 0 : index
    %get3A_17 = vector.load %arg1[%get3A_14, %get3A_15, %get3A_16] : memref<4x2000x128xf32, #tpu.memory_space<vmem>>, vector<1x2000x128xf32>
    %get3A_18 = vector.shape_cast %get3A_17 : vector<1x2000x128xf32> to vector<2000x128xf32>
    %get3A_19 = arith.constant 0 : index
    %get3A_20 = arith.constant 0 : index
    %get3A_21 = vector.load %arg4[%get3A_19, %get3A_20] : memref<128x128xf32, #tpu.memory_space<vmem>>, vector<128x128xf32>
    %dot_general3A_22 = arith.constant dense<0.000000e+00> : vector<2000x128xf32>
    %dot_general3A_23 = tpu.matmul %get3A_18, %get3A_21, %dot_general3A_22 {dimension_numbers = #tpu.dot_dimension_numbers<[1], [0], [0], [1], [0, 0, 1, 1], [], []>, transpose_lhs_hint = false} : vector<2000x128xf32>, vector<128x128xf32>, vector<2000x128xf32> -> vector<2000x128xf32>
    %swap3A_24 = arith.constant 0 : index
    %swap3A_25 = arith.constant 0 : index
    %swap3A_26 = arith.constant 0 : index
    %swap3A_27 = vector.load %arg6[%swap3A_24, %swap3A_25, %swap3A_26] : memref<3x2000x128xf32, #tpu.memory_space<vmem>>, vector<1x2000x128xf32>
    %swap3A_28 = vector.shape_cast %swap3A_27 : vector<1x2000x128xf32> to vector<2000x128xf32>
    %swap3A_29 = vector.shape_cast %dot_general3A_23 : vector<2000x128xf32> to vector<1x2000x128xf32>
    tpu.vector_store %arg6[%swap3A_24, %swap3A_25, %swap3A_26], %swap3A_29 {strides = array<i32>} : memref<3x2000x128xf32, #tpu.memory_space<vmem>>, vector<1x2000x128xf32>,
    %get3A_30 = arith.constant 2 : index
    %get3A_31 = arith.constant 0 : index
    %get3A_32 = arith.constant 0 : index
    %get3A_33 = vector.load %arg1[%get3A_30, %get3A_31, %get3A_32] : memref<4x2000x128xf32, #tpu.memory_space<vmem>>, vector<1x2000x128xf32>
    %get3A_34 = vector.shape_cast %get3A_33 : vector<1x2000x128xf32> to vector<2000x128xf32>
    %get3A_35 = arith.constant 0 : index
    %get3A_36 = arith.constant 0 : index
    %get3A_37 = vector.load %arg4[%get3A_35, %get3A_36] : memref<128x128xf32, #tpu.memory_space<vmem>>, vector<128x128xf32>
    %dot_general3A_38 = arith.constant dense<0.000000e+00> : vector<2000x128xf32>
    %dot_general3A_39 = tpu.matmul %get3A_34, %get3A_37, %dot_general3A_38 {dimension_numbers = #tpu.dot_dimension_numbers<[1], [0], [0], [1], [0, 0, 1, 1], [], []>, transpose_lhs_hint = false} : vector<2000x128xf32>, vector<128x128xf32>, vector<2000x128xf32> -> vector<2000x128xf32>
    %swap3A_40 = arith.constant 1 : index
    %swap3A_41 = arith.constant 0 : index
    %swap3A_42 = arith.constant 0 : index
    %swap3A_43 = vector.load %arg6[%swap3A_40, %swap3A_41, %swap3A_42] : memref<3x2000x128xf32, #tpu.memory_space<vmem>>, vector<1x2000x128xf32>
    %swap3A_44 = vector.shape_cast %swap3A_43 : vector<1x2000x128xf32> to vector<2000x128xf32>
    %swap3A_45 = vector.shape_cast %dot_general3A_39 : vector<2000x128xf32> to vector<1x2000x128xf32>
    tpu.vector_store %arg6[%swap3A_40, %swap3A_41, %swap3A_42], %swap3A_45 {strides = array<i32>} : memref<3x2000x128xf32, #tpu.memory_space<vmem>>, vector<1x2000x128xf32>,
    %get3A_46 = arith.constant 3 : index
    %get3A_47 = arith.constant 0 : index
    %get3A_48 = arith.constant 0 : index
    %get3A_49 = vector.load %arg1[%get3A_46, %get3A_47, %get3A_48] : memref<4x2000x128xf32, #tpu.memory_space<vmem>>, vector<1x2000x128xf32>
    %get3A_50 = vector.shape_cast %get3A_49 : vector<1x2000x128xf32> to vector<2000x128xf32>
    %get3A_51 = arith.constant 0 : index
    %get3A_52 = arith.constant 0 : index
    %get3A_53 = vector.load %arg4[%get3A_51, %get3A_52] : memref<128x128xf32, #tpu.memory_space<vmem>>, vector<128x128xf32>
    %dot_general3A_54 = arith.constant dense<0.000000e+00> : vector<2000x128xf32>
    %dot_general3A_55 = tpu.matmul %get3A_50, %get3A_53, %dot_general3A_54 {dimension_numbers = #tpu.dot_dimension_numbers<[1], [0], [0], [1], [0, 0, 1, 1], [], []>, transpose_lhs_hint = false} : vector<2000x128xf32>, vector<128x128xf32>, vector<2000x128xf32> -> vector<2000x128xf32>
    %swap3A_56 = arith.constant 2 : index
    %swap3A_57 = arith.constant 0 : index
    %swap3A_58 = arith.constant 0 : index
    %swap3A_59 = vector.load %arg6[%swap3A_56, %swap3A_57, %swap3A_58] : memref<3x2000x128xf32, #tpu.memory_space<vmem>>, vector<1x2000x128xf32>
    %swap3A_60 = vector.shape_cast %swap3A_59 : vector<1x2000x128xf32> to vector<2000x128xf32>
    %swap3A_61 = vector.shape_cast %dot_general3A_55 : vector<2000x128xf32> to vector<1x2000x128xf32>
    tpu.vector_store %arg6[%swap3A_56, %swap3A_57, %swap3A_58], %swap3A_61 {strides = array<i32>} : memref<3x2000x128xf32, #tpu.memory_space<vmem>>, vector<1x2000x128xf32>,
    return
  }
  func.func @transform_0(%arg0: i32) -> (i32, i32, i32) {
    %c0_i32 = arith.constant 0 : i32
    %c0_i32_0 = arith.constant 0 : i32
    %c0_i32_1 = arith.constant 0 : i32
    return %c0_i32, %arg0, %c0_i32_0 : i32, i32, i32
  }
  func.func @transform_1(%arg0: i32) -> (i32, i32) {
    %c0_i32 = arith.constant 0 : i32
    %c0_i32_0 = arith.constant 0 : i32
    %c0_i32_1 = arith.constant 0 : i32
    return %c0_i32, %c0_i32_0 : i32, i32
  }
  func.func @transform_2(%arg0: i32) -> (i32, i32) {
    %c0_i32 = arith.constant 0 : i32
    %c0_i32_0 = arith.constant 0 : i32
    %c0_i32_1 = arith.constant 0 : i32
    return %c0_i32, %c0_i32_0 : i32, i32
  }
  func.func @transform_3(%arg0: i32) -> (i32, i32) {
    %c0_i32 = arith.constant 0 : i32
    %c0_i32_0 = arith.constant 0 : i32
    %c0_i32_1 = arith.constant 0 : i32
    return %c0_i32, %c0_i32_0 : i32, i32
  }
  func.func @transform_4(%arg0: i32) -> (i32, i32) {
    %c0_i32 = arith.constant 0 : i32
    %c0_i32_0 = arith.constant 0 : i32
    return %arg0, %c0_i32 : i32, i32
  }
  func.func @transform_5(%arg0: i32) -> (i32, i32, i32) {
    %c0_i32 = arith.constant 0 : i32
    %c0_i32_0 = arith.constant 0 : i32
    %c0_i32_1 = arith.constant 0 : i32
    return %c0_i32, %arg0, %c0_i32_0 : i32, i32, i32
  }
}

</mosaic_0001>

<sc_bundles>
// kernel: kernel.6.cloned.1.call-start
scs
__scs_entry_jumppad:
0x0: {  	(pc) =	sbr.rel $0x88, $3  }
0x1: {  	(tag) =	ssettag $0x0;
	lr =	simm.s32 $0x1  }
0x2: {  	[smem:$0x3F92] =	sst lr;
	_ =	strace $0xD0000000  }
0x3: {  	_ = 	snop  }
0x4: {  	_ = 	snop  }
0x5: {  	_ = 	snop  }
0x6: {  	_ = 	snop  }
0x7: {  	_ = 	snop  }
__scs_overlays_trampoline_lowered:
0x8: {  	[smem:$0x3FA1] =	sst s0  }
0x9: {  	[smem:$0x3FA2] =	sst s1  }
0xa: {  	[smem:$0x3FA3] =	sst s2  }
0xb: {  	[smem:$0x3FA4] =	sst s3  }
0xc: {  	[smem:$0x3FA5] =	sst s4  }
0xd: {  	[smem:$0x3FA6] =	sst s5  }
0xe: {  	[smem:$0x3FA7] =	sst s6  }
0xf: {  	[smem:$0x3FA8] =	sst s7  }
0x10: {  	[smem:$0x3FA9] =	sst s8  }
0x11: {  	[smem:$0x3FAA] =	sst s9;
	s0 =	simm.s32 @!p0 $0x0  }
0x12: {  	s1 =	sld [smem:$0x3F90];
	s0 =	simm.s32 @p0 $0x1  }
0x13: {  	[smem:$0x3FAB] =	sst s0;
	s0 =	simm.s32 @!p1 $0x0  }
0x14: {  	s2 =	sld [smem:$0x3F8F];
	s0 =	simm.s32 @p1 $0x1  }
0x15: {  	[smem:$0x3FAC] =	sst s0;
	s0 =	simm.s32 @!p2 $0x0  }
0x16: {  	s3 =	sld [smem:$0x3FDB];
	s0 =	simm.s32 @p2 $0x1  }
0x17: {  	s4 =	simm.s32 $0x1BF5;
	[smem:$0x3FAE] =	sst s0  }
0x18: {  	s0 =	sld [smem:$0x3F91];
	_ =	swait.ge [sflag:s4], $0x0  }
0x19: {  	s7 =	sld [smem:$0x3F92]  }
0x1a: {  	s8 =	sadd.s32 $0xFFFFE003, lr  }
0x1b: {  	s9 =	sadd.s32 $0xFFFFFEF7, lr;
	s5 =	simm.s32 $0xFFFFFFFF;
	p2 =	slt.u32 s8, $0xFFFFF086  }
0x1c: {  	p1 =	slt.u32 s9, $0xF7A;
	s5 =	simm.s32 @!p2 $0x0  }
0x1d: {  	s5 =	simm.s32 @p1 $0x1;
	p0 =	seq.s32 s7, s2  }
0x1e: {  	s7 =	smul.u32 @!p0 $0xF7A, s2;
	p2 =	seq.s32 @!p0 s5, $0x0  }
0x1f: {  	s9 =	smul.u32 $0xF7A, s1;
	s8 =	simm.s32 @!p0 $0x1BF5;
	p2 =	por !p2, p0  }
0x20: {  	[sflag:s8] =	ssyncset.s32 @!p0 $0xFFFFF086;
	s6 =	sadd.s32 @!p0 s3, s7;
	s7 =	simm.s32 @!p0 $0x108  }
0x21: {  	s3 =	sadd.s32 s3, s9;
	s6 =	sadd.s32 @!p0 $0x88, s6;
	s7 =	simm.s32 @p2 $0x1082  }
0x22: {  	[simem:s7], [sflag:s8] =	dma.local @!p0 [hbm:s6], $0xF7A  }
0x23: {  	s9 =	sor.u32 $0xD0000000, s2;
	s6 =	simm.s32 $0x108;
	_ =	swait.ge @!p0 [sflag:s8], $0x0  }
0x24: {  	s3 =	sadd.s32 $0x88, s3;
	s6 =	simm.s32 @!p1 $0x1082;
	[sflag:s4] =	ssyncset.s32 $0xFFFFF086  }
0x25: {  	[simem:s6], [sflag:s4] =	dma.local [hbm:s3], $0xF7A  }
0x26: {  	[smem:$0x3F92] =	sst s1;
	(tag) =	ssettag s2;
	_ =	strace s9  }
0x27: {  	s1 =	sld [smem:$0x3FA2]  }
0x28: {  	s2 =	sld [smem:$0x3FA3]  }
0x29: {  	s4 =	sld [smem:$0x3FA5]  }
0x2a: {  	p0 =	seq.s32 s5, $0x0;
	s5 =	sld [smem:$0x3FA6]  }
0x2b: {  	s6 =	sld [smem:$0x3FA7]  }
0x2c: {  	s7 =	sld [smem:$0x3FA8]  }
0x2d: {  	s3 =	simm.s32 $0x108;
	s8 =	sld [smem:$0x3FA9]  }
0x2e: {  	s3 =	simm.s32 @!p0 $0x1082;
	s9 =	sld [smem:$0x3FAA]  }
0x2f: {  	lr =	sadd.s32 s0, s3;
	s0 =	sld [smem:$0x3FA1]  }
0x30: {  	s3 =	sld [smem:$0x3FA4]  }
0x31: {  	[smem:$0x3FAD] =	sst s10  }
0x32: {  	s10 =	sld [smem:$0x3FAB];
	_ =	sdelay $0x3  }
0x33: {  	p0 =	seq.s32 s10, $0x1;
	s10 =	sld [smem:$0x3FAD];
	_ =	sdelay $0x3  }
0x34: {  	[smem:$0x3FAD] =	sst s10  }
0x35: {  	s10 =	sld [smem:$0x3FAC];
	_ =	sdelay $0x3  }
0x36: {  	p1 =	seq.s32 s10, $0x1;
	s10 =	sld [smem:$0x3FAD];
	_ =	sdelay $0x3  }
0x37: {  	[smem:$0x3FAD] =	sst s10  }
0x38: {  	s10 =	sld [smem:$0x3FAE]  }
0x39: {  	_ = 	snop;
	(pc) =	sbr.ind lr, $3  }
0x3a: {  	_ = 	snop  }
0x3b: {  	_ = 	snop  }
0x3c: {  	p2 =	seq.s32 s10, $0x1;
	s10 =	sld [smem:$0x3FAD]  }
0x3d: {  	_ =	shalt  }
0x3e: {  	_ =	shalt  }
0x3f: {  	_ =	shalt  }
0x40: {  	_ =	shalt  }
0x41: {  	_ =	shalt  }
0x42: {  	_ =	shalt  }
0x43: {  	_ =	shalt  }
0x44: {  	_ =	shalt  }
0x45: {  	_ =	shalt  }
0x46: {  	_ =	shalt  }
0x47: {  	_ =	shalt  }
0x48: {  	_ =	shalt  }
0x49: {  	_ =	shalt  }
0x4a: {  	_ =	shalt  }
0x4b: {  	_ =	shalt  }
0x4c: {  	_ =	shalt  }
0x4d: {  	_ =	shalt  }
0x4e: {  	_ =	shalt  }
0x4f: {  	_ =	shalt  }
0x50: {  	_ =	shalt  }
0x51: {  	_ =	shalt  }
0x52: {  	_ =	shalt  }
0x53: {  	_ =	shalt  }
0x54: {  	_ =	shalt  }
0x55: {  	_ =	shalt  }
0x56: {  	_ =	shalt  }
0x57: {  	_ =	shalt  }
0x58: {  	_ =	shalt  }
0x59: {  	_ =	shalt  }
0x5a: {  	_ =	shalt  }
0x5b: {  	_ =	shalt  }
0x5c: {  	_ =	shalt  }
0x5d: {  	_ =	shalt  }
0x5e: {  	_ =	shalt  }
0x5f: {  	_ =	shalt  }
0x60: {  	_ =	shalt  }
0x61: {  	_ =	shalt  }
0x62: {  	_ =	shalt  }
0x63: {  	_ =	shalt  }
0x64: {  	_ =	shalt  }
0x65: {  	_ =	shalt  }
0x66: {  	_ =	shalt  }
0x67: {  	_ =	shalt  }
0x68: {  	_ =	shalt  }
0x69: {  	_ =	shalt  }
0x6a: {  	_ =	shalt  }
0x6b: {  	_ =	shalt  }
0x6c: {  	_ =	shalt  }
0x6d: {  	_ =	shalt  }
0x6e: {  	_ =	shalt  }
0x6f: {  	_ =	shalt  }
0x70: {  	_ =	shalt  }
0x71: {  	_ =	shalt  }
0x72: {  	_ =	shalt  }
0x73: {  	_ =	shalt  }
0x74: {  	_ =	shalt  }
0x75: {  	_ =	shalt  }
0x76: {  	_ =	shalt  }
0x77: {  	_ =	shalt  }
0x78: {  	_ =	shalt  }
0x79: {  	_ =	shalt  }
0x7a: {  	_ =	shalt  }
0x7b: {  	_ =	shalt  }
0x7c: {  	_ =	shalt  }
0x7d: {  	_ =	shalt  }
0x7e: {  	_ =	shalt  }
0x7f: {  	_ =	shalt  }
0x80: {  	_ =	shalt  }
0x81: {  	_ =	shalt  }
0x82: {  	_ =	shalt  }
0x83: {  	_ =	shalt  }
0x84: {  	_ =	shalt  }
0x85: {  	_ =	shalt  }
0x86: {  	_ =	shalt  }
0x87: {  	_ =	shalt  }
.Lfunc_end0:
.L_simem_size_0:
called_computation_lowered:
.L_overlay_start_0:
0x88: {  	s2 =	sld [smem:$0x3FD9]  }
0x89: {  	s3 =	sld [smem:$0x3FFE];
	_ =	sdelay $0x1  }
0x8a: {  	s1 =	srdreg.scid  }
0x8b: {  	s0 =	sand.u32 $0x1, s1  }
0x8c: {  	s17 =	sshll.u32 s0, $0xA;
	s2 =	sadd.s32 s3, s2  }
0x8d: {  	s2 =	sadd.s32 s2, s17  }
0x8e: {  	[smem:$0x3FB9] =	sst s2  }
0x8f: {  	_ = 	snop  }
0x90: {  	s2 =	sld [smem:$0x3FC9]  }
0x91: {  	s18 =	sld [smem:$0x3FD0];
	(tm) =	ssettm $0x1  }
0x92: {  	s4 =	sld [smem:$0x3FFB];
	_ =	sdelay $0x3  }
0x93: {  	_ =	strace s4  }
0x94: {  	s4 =	sld [smem:$0x3FFC];
	_ =	sdelay $0x3  }
0x95: {  	_ =	strace s4  }
0x96: {  	s4 =	sld [smem:$0x3FFD];
	_ =	sdelay $0x3  }
0x97: {  	_ =	strace s4  }
0x98: {  	_ =	strace $0x8FFFFFFF  }
0x99: {  	s19 =	sld [smem:$0x3FDB];
	_ =	sdelay $0x1  }
0x9a: {  	s5 =	simm.s32 $_scs_section_size  }
0x9b: {  	s6 =	simm.s32 $_size__tile_overlayer_lowered;
	s7 =	simm.s32 $_tile_overlayer_lowered  }
0x9c: {  	s22 =	simm.s32 $0x1BFF;
	s21 =	sshll.u32 s7, $0x1;
	s4 =	sadd.s32 s5, s19  }
0x9d: {  	s8 =	simm.s32 $0x0;
	s20 =	sshll.u32 s6, $0x1;
	s6 =	sadd.s32 s21, s4  }
0x9e: {  	[timem:s8], [sflag:s22] =	dma.local [hbm:s6], s20  }
0x9f: {  	_ =	swait.ge [sflag:s22], s20  }
0xa0: {  	s5 =	ssub.s32 $0x0, s20;
	[sflag:s22] =	ssyncset.done $0x0  }
0xa1: {  	[sflag:s22] =	ssyncadd.s32 s5;
	_ =	sdelay $0x1  }
0xa2: {  	s23 =	simm.s32 $0x1B8B  }
0xa3: {  	_ =	swait.ge [sflag:s23], $0x1  }
0xa4: {  	[sflag:s23] =	ssyncset.done $0x0  }
0xa5: {  	s25 =	simm.s32 $0x1B8E;
	s24 =	sld [smem:$0x3FFE];
	[sflag:s23] =	ssyncadd.s32 $0xFFFFFFFF  }
0xa6: {  	s26 =	simm.s32 $execute0_lowered;
	[smem:$0x3FD2] =	sst s25  }
0xa7: {  	s6 =	sshll.u32 s26, $0x1;
	_ =	strace $0x80000046;
	[dreg:$0x1] =	wrdreg $0xFFFFFFFF  }
0xa8: {  	s28 =	simm.s32 $_size_execute0_lowered;
	s4 =	sadd.s32 s4, s6;
	[dreg:$0x0] =	wrdreg $0x0  }
0xa9: {  	s6 =	sshll.u32 s28, $0x1;
	[dreg:$0x2] =	wrdreg s4  }
0xaa: {  	[dreg:$0x3] =	wrdreg s6  }
0xab: {  	[dreg:$0x4] =	wrdreg $0xC0  }
0xac: {  	_ =	task [dreg:s8], $0x5FFFF  }
0xad: {  	[dreg:$0x1] =	wrdreg $0xFFFFFFFF  }
0xae: {  	[dreg:$0x0] =	wrdreg $0x60  }
0xaf: {  	[dreg:$0x2] =	wrdreg s2  }
0xb0: {  	[dreg:$0x3] =	wrdreg s24  }
0xb1: {  	[dreg:$0x4] =	wrdreg s18  }
0xb2: {  	[dreg:$0x5] =	wrdreg $0x9  }
0xb3: {  	_ =	task.clear_ibuf [dreg:s8], $0x6FFFF;
	_ =	strace $0x90000046  }
0xb4: {  	s29 =	simm.s32 $0x9;
	_ =	strace $0x80000048  }
0xb5: {  	_ =	swait.ge [sflag:s29], $0x1  }
0xb6: {  	[sflag:s29] =	ssyncadd.s32 $0xFFFFFFFF  }
0xb7: {  	_ =	strace $0x90000048  }
0xb8: {  	_ =	sfence  }
0xb9: {  	s30 =	sld [smem:$0x0];
	_ =	sdelay $0x2  }
0xba: {  	s31 =	sshll.u32 s1, $0xD;
	s1 =	sshrl.u32 s1, $0x2  }
0xbb: {  	s3 =	sand.u32 $0x4000, s31;
	s1 =	sadd.s32 s1, s30  }
0xbc: {  	s0 =	sor.u32 s3, s0;
	s1 =	sshll.u32 s1, $0x11  }
0xbd: {  	s0 =	sor.u32 s1, s0  }
0xbe: {  	s0 =	sadd.s32 $0x8F2B, s0  }
0xbf: {  	[sflag:s0] =	ssyncadd.remote.s32 $0x1  }
0xc0: {  	_ =	sfence.sel $0xFFFF  }
0xc1: {  	[dreg:$0x0] =	wrdreg $0xFFFFFFFF;
	(pc) =	sbr.abs _section_cstart, $3  }
0xc2: {  	[dreg:$0x1] =	wrdreg $0xFFFFFFFF  }
0xc3: {  	_ =	task.clear_ibuf [dreg:s8], $0x2FFFF;
	_ =	strace $0x9FFFFFFF  }
0xc4: {  	(tm) =	ssettm $0x7FFFFFFF  }
0xc5: {  	_ =	shalt  }
tec
execute0_lowered:
.L_overlay_start_1:
0x0: {  	(tag) =	ssettag $0x1  }
0x1: {  	s1 =	rddreg [dreg:$0x0]  }
0x2: {  	s4 =	rddreg [dreg:$0x1]  }
0x3: {  	s6 =	rddreg [dreg:$0x2]  }
0x4: {  	s0 =	rddreg [dreg:$0x3]  }
0x5: {  	s5 =	srdreg.scid;
	s3 =	simm.s32 $0x0;
	s2 =	stileid.u32  }
0x6: {  	s12 =	simm.s32 $0x100;
	s13 =	simm.s32 $0x4100;
	s14 =	simm.s32 $0x1  }
0x7: {  	s15 =	simm.s32 $0x2;
	s16 =	simm.s32 $0x0;
	s7 =	sand.u32 $0x1, s5  }
0x8: {  	[smem:$0x7FF] =	sst s3;
	s26 =	sshll.u32 s2, $0x8;
	s28 =	sshll.u32 s2, $0xC  }
0x9: {  	p0 =	seq.s32 s2, $0x0;
	s8 =	sshll.u32 s7, $0x7;
	_ =	strace $0x80000047  }
0xa: {  	s9 =	ssub.s32 $0x2, s7;
	s11 =	sadd.s32 s28, s4;
	s5 =	sor.u32 s8, s26  }
0xb: {  	s31 =	sshll.u32 s7, $0xB;
	s29 =	sshrl.u32 s9, $0x1;
	s8 =	sshrl.u32 s5, $0x3  }
0xc: {  	s30 =	ssub.s32 s9, s29;
	s9 =	sadd.s32 s31, s11;
	s11 =	simm.s32 $0x80  }
0xd: {  	s10 =	sadd.s32 s8, s4;
	s4 =	simm.s32 $0x28;
	s5 =	smax.u32 s30, $0x1  }
0xe: {  	s6 =	sadd.s32 s8, s6;
	s8 =	sadd.s32 $0x7C00, s9;
	s9 =	sadd.s32 $0x278C00, s9  }
0xf: {  	s4 =	simm.s32 @!p0 $0x27;
	s7 =	sadd.s32 $0x2C00, s10;
	s10 =	simm.s32 $0x3  }
.LBB2_1:
0x10: {  	[tilespmem:s3], [sflag:$0x3] =	stream.linear.gather [hbm4b:s7+s3], $0x80, $0x38;
	[tilespmem:$0x8100] =	vst v63  }
0x11: {  	_ =	swait.ge [sflag:s10], $0x80  }
0x12: {  	[sflag:s10] =	ssyncset.done $0x0  }
0x13: {  	[sflag:s10] =	ssyncadd.s32 $0xFFFFFF80  }
0x14: {  	[tilespmem:s11], [sflag:$0x3] =	stream.linear.gather [hbm4b:s6+s3], $0x80, $0x38;
	[tilespmem:$0x8100] =	vst v63  }
0x15: {  	_ =	swait.ge [sflag:s10], $0x80  }
0x16: {  	[sflag:s10] =	ssyncset.done $0x0  }
0x17: {  	[sflag:s10] =	ssyncadd.s32 $0xFFFFFF80  }
0x18: {  	[tilespmem:s12], [sflag:$0x1] =	stream.indirect.gather [hbm4b:s1+s11], $0x80, s3, s11, $0xb8;
	[tilespmem:$0x8100] =	vst v63  }
0x19: {  	_ = 	snop  }
0x1a: {  	[tilespmem:s13], [sflag:$0x2] =	stream.indirect.gather [hbm4b:s1+s11], $0x80, s11, s11, $0xb8;
	[tilespmem:$0x8100] =	vst v63  }
0x1b: {  	_ =	swait.ge [sflag:s14], $0x4000  }
0x1c: {  	[sflag:s14] =	ssyncset.done $0x0  }
0x1d: {  	[sflag:s14] =	ssyncadd.s32 $0xFFFFC000  }
0x1e: {  	_ =	swait.ge [sflag:s15], $0x4000  }
0x1f: {  	[sflag:s15] =	ssyncset.done $0x0  }
0x20: {  	[sflag:s15] =	ssyncadd.s32 $0xFFFFC000  }
0x21: {  	[hbm4b:s8+s3] =	stream.linear.scatter [tilespmem:s12], [sflag:$0x3], $0x4000, $0x38;
	[tilespmem:$0x8100] =	vst v63  }
0x22: {  	p0 =	sne.s32 s4, $0x1;
	_ =	swait.ge [sflag:s10], $0x4000  }
.Ltmp0:
0x23: {  	[sflag:s10] =	ssyncset.done $0x0;
	(pc) =	sbr.rel @!p0 .LBB2_3-.Ltmp0, $4  }
0x24: {  	s17 =	sadd.s32 $0xFFFFFFFF, s4;
	[sflag:s10] =	ssyncadd.s32 $0xFFFFC000  }
0x25: {  	[hbm4b:s9+s3] =	stream.linear.scatter [tilespmem:s13], [sflag:$0x3], $0x4000, $0x38;
	[tilespmem:$0x8100] =	vst v63  }
0x26: {  	s18 =	sadd.s32 $0x10000, s8;
	s19 =	sadd.s32 $0x10000, s9;
	_ =	swait.ge [sflag:s10], $0x4000  }
0x27: {  	s20 =	smov.u32 s6;
	s21 =	smov.u32 s7;
	[sflag:s10] =	ssyncset.done $0x0  }
.LBB2_2:
0x28: {  	[sflag:s10] =	ssyncadd.s32 $0xFFFFC000;
	s20 =	sadd.s32 $0x200, s20;
	s21 =	sadd.s32 $0x200, s21  }
0x29: {  	[tilespmem:s3], [sflag:$0x3] =	stream.linear.gather [hbm4b:s21+s3], $0x80, $0x38;
	[tilespmem:$0x8100] =	vst v63  }
0x2a: {  	p0 =	sne.s32 s17, $0x1;
	s17 =	sadd.s32 $0xFFFFFFFF, s17;
	_ =	swait.ge [sflag:s10], $0x80  }
0x2b: {  	[sflag:s10] =	ssyncset.done $0x0  }
0x2c: {  	[sflag:s10] =	ssyncadd.s32 $0xFFFFFF80  }
0x2d: {  	[tilespmem:s11], [sflag:$0x3] =	stream.linear.gather [hbm4b:s20+s3], $0x80, $0x38;
	[tilespmem:$0x8100] =	vst v63  }
0x2e: {  	_ =	swait.ge [sflag:s10], $0x80  }
0x2f: {  	[sflag:s10] =	ssyncset.done $0x0  }
0x30: {  	[sflag:s10] =	ssyncadd.s32 $0xFFFFFF80  }
0x31: {  	[tilespmem:s12], [sflag:$0x1] =	stream.indirect.gather [hbm4b:s1+s11], $0x80, s3, s11, $0xb8;
	[tilespmem:$0x8100] =	vst v63  }
0x32: {  	_ = 	snop  }
0x33: {  	[tilespmem:s13], [sflag:$0x2] =	stream.indirect.gather [hbm4b:s1+s11], $0x80, s11, s11, $0xb8;
	[tilespmem:$0x8100] =	vst v63  }
0x34: {  	_ =	swait.ge [sflag:s14], $0x4000  }
0x35: {  	[sflag:s14] =	ssyncset.done $0x0  }
0x36: {  	[sflag:s14] =	ssyncadd.s32 $0xFFFFC000  }
0x37: {  	_ =	swait.ge [sflag:s15], $0x4000  }
0x38: {  	[sflag:s15] =	ssyncset.done $0x0  }
0x39: {  	[sflag:s15] =	ssyncadd.s32 $0xFFFFC000  }
0x3a: {  	[hbm4b:s18+s3] =	stream.linear.scatter [tilespmem:s12], [sflag:$0x3], $0x4000, $0x38;
	[tilespmem:$0x8100] =	vst v63  }
0x3b: {  	_ =	swait.ge [sflag:s10], $0x4000  }
.Ltmp1:
0x3c: {  	[sflag:s10] =	ssyncset.done $0x0;
	(pc) =	sbr.rel @p0 .LBB2_2-.Ltmp1, $4  }
0x3d: {  	[sflag:s10] =	ssyncadd.s32 $0xFFFFC000  }
0x3e: {  	[hbm4b:s19+s3] =	stream.linear.scatter [tilespmem:s13], [sflag:$0x3], $0x4000, $0x38;
	[tilespmem:$0x8100] =	vst v63  }
0x3f: {  	_ =	swait.ge [sflag:s10], $0x4000  }
0x40: {  	s18 =	sadd.s32 $0x10000, s18;
	s19 =	sadd.s32 $0x10000, s19;
	[sflag:s10] =	ssyncset.done $0x0  }
.LBB2_3:
0x41: {  	s16 =	sadd.s32 $0x1, s16  }
0x42: {  	p0 =	sne.s32 s16, s5  }
.Ltmp2:
0x43: {  	_ = 	snop;
	(pc) =	sbr.rel @p0 .LBB2_1-.Ltmp2, $2  }
0x44: {  	_ =	sdelay $0x2  }
0x45: {  	[sflag:s10] =	ssyncadd.s32 $0xFFFFC000  }
0x46: {  	_ =	sfence.sel $0x180000  }
0x47: {  	[bflag:$0x0] =	sbarrier.arrive $0xFFFF  }
0x48: {  	p0 =	sne.s32 s2, $0x0;
	_ =	strace $0x90000047  }
0x49: {  	s0 =	sadd.s32 @!p0 $0x100000, s0;
	[bflag:$0x2] =	sbarrier.arrive $0xFFFF  }
0x4a: {  	[sflag:s0] =	ssyncadd.tile.s32 @!p0 $0x1;
	_ =	shalt  }
.Lfunc_end2:
_tile_overlayer_lowered:
.L_overlay_start_2:
0x4b: {  	(tag) =	ssettag $0x2  }
0x4c: {  	s0 =	rddreg [dreg:$0x0];
	s2 =	stileid.u32  }
0x4d: {  	s1 =	rddreg [dreg:$0x1];
	p0 =	sne.s32 s2, $0x0  }
0x4e: {  	s3 =	rddreg [dreg:$0x2];
	[bflag:$0x3] =	sbarrier.arrive $0xFFFF;
	s2 =	simm.s32 @!p0 $0x1C03  }
0x4f: {  	[timem:s3], [sflag:s2] =	dma.local @!p0 [hbm:s0], s1  }
0x50: {  	s0 =	simm.s32 @!p0 $0x3  }
0x51: {  	_ =	swait.ge @!p0 [sflag:s0], s1  }
0x52: {  	s1 =	ssub.s32 @!p0 $0x0, s1;
	[sflag:s0] =	ssyncset.done @!p0 $0x0  }
0x53: {  	[sflag:s0] =	ssyncadd.s32 @!p0 s1  }
0x54: {  	[bflag:$0x3] =	sbarrier.arrive $0xFFFF  }
0x55: {  	_ =	shalt  }

// kernel: kernel.9.cloned.1.call-start
scs
__scs_entry_jumppad:
0x0: {  	(pc) =	sbr.rel $0x88, $3  }
0x1: {  	(tag) =	ssettag $0x0;
	lr =	simm.s32 $0x1  }
0x2: {  	[smem:$0x3F92] =	sst lr;
	_ =	strace $0xD0000000  }
0x3: {  	_ = 	snop  }
0x4: {  	_ = 	snop  }
0x5: {  	_ = 	snop  }
0x6: {  	_ = 	snop  }
0x7: {  	_ = 	snop  }
__scs_overlays_trampoline_lowered:
0x8: {  	[smem:$0x3FA1] =	sst s0  }
0x9: {  	[smem:$0x3FA2] =	sst s1  }
0xa: {  	[smem:$0x3FA3] =	sst s2  }
0xb: {  	[smem:$0x3FA4] =	sst s3  }
0xc: {  	[smem:$0x3FA5] =	sst s4  }
0xd: {  	[smem:$0x3FA6] =	sst s5  }
0xe: {  	[smem:$0x3FA7] =	sst s6  }
0xf: {  	[smem:$0x3FA8] =	sst s7  }
0x10: {  	[smem:$0x3FA9] =	sst s8  }
0x11: {  	[smem:$0x3FAA] =	sst s9;
	s0 =	simm.s32 @!p0 $0x0  }
0x12: {  	s1 =	sld [smem:$0x3F90];
	s0 =	simm.s32 @p0 $0x1  }
0x13: {  	[smem:$0x3FAB] =	sst s0;
	s0 =	simm.s32 @!p1 $0x0  }
0x14: {  	s2 =	sld [smem:$0x3F8F];
	s0 =	simm.s32 @p1 $0x1  }
0x15: {  	[smem:$0x3FAC] =	sst s0;
	s0 =	simm.s32 @!p2 $0x0  }
0x16: {  	s3 =	sld [smem:$0x3FDB];
	s0 =	simm.s32 @p2 $0x1  }
0x17: {  	s4 =	simm.s32 $0x1BF5;
	[smem:$0x3FAE] =	sst s0  }
0x18: {  	s0 =	sld [smem:$0x3F91];
	_ =	swait.ge [sflag:s4], $0x0  }
0x19: {  	s7 =	sld [smem:$0x3F92]  }
0x1a: {  	s8 =	sadd.s32 $0xFFFFE003, lr  }
0x1b: {  	s9 =	sadd.s32 $0xFFFFFEF7, lr;
	s5 =	simm.s32 $0xFFFFFFFF;
	p2 =	slt.u32 s8, $0xFFFFF086  }
0x1c: {  	p1 =	slt.u32 s9, $0xF7A;
	s5 =	simm.s32 @!p2 $0x0  }
0x1d: {  	s5 =	simm.s32 @p1 $0x1;
	p0 =	seq.s32 s7, s2  }
0x1e: {  	s7 =	smul.u32 @!p0 $0xF7A, s2;
	p2 =	seq.s32 @!p0 s5, $0x0  }
0x1f: {  	s9 =	smul.u32 $0xF7A, s1;
	s8 =	simm.s32 @!p0 $0x1BF5;
	p2 =	por !p2, p0  }
0x20: {  	[sflag:s8] =	ssyncset.s32 @!p0 $0xFFFFF086;
	s6 =	sadd.s32 @!p0 s3, s7;
	s7 =	simm.s32 @!p0 $0x108  }
0x21: {  	s3 =	sadd.s32 s3, s9;
	s6 =	sadd.s32 @!p0 $0x88, s6;
	s7 =	simm.s32 @p2 $0x1082  }
0x22: {  	[simem:s7], [sflag:s8] =	dma.local @!p0 [hbm:s6], $0xF7A  }
0x23: {  	s9 =	sor.u32 $0xD0000000, s2;
	s6 =	simm.s32 $0x108;
	_ =	swait.ge @!p0 [sflag:s8], $0x0  }
0x24: {  	s3 =	sadd.s32 $0x88, s3;
	s6 =	simm.s32 @!p1 $0x1082;
	[sflag:s4] =	ssyncset.s32 $0xFFFFF086  }
0x25: {  	[simem:s6], [sflag:s4] =	dma.local [hbm:s3], $0xF7A  }
0x26: {  	[smem:$0x3F92] =	sst s1;
	(tag) =	ssettag s2;
	_ =	strace s9  }
0x27: {  	s1 =	sld [smem:$0x3FA2]  }
0x28: {  	s2 =	sld [smem:$0x3FA3]  }
0x29: {  	s4 =	sld [smem:$0x3FA5]  }
0x2a: {  	p0 =	seq.s32 s5, $0x0;
	s5 =	sld [smem:$0x3FA6]  }
0x2b: {  	s6 =	sld [smem:$0x3FA7]  }
0x2c: {  	s7 =	sld [smem:$0x3FA8]  }
0x2d: {  	s3 =	simm.s32 $0x108;
	s8 =	sld [smem:$0x3FA9]  }
0x2e: {  	s3 =	simm.s32 @!p0 $0x1082;
	s9 =	sld [smem:$0x3FAA]  }
0x2f: {  	lr =	sadd.s32 s0, s3;
	s0 =	sld [smem:$0x3FA1]  }
0x30: {  	s3 =	sld [smem:$0x3FA4]  }
0x31: {  	[smem:$0x3FAD] =	sst s10  }
0x32: {  	s10 =	sld [smem:$0x3FAB];
	_ =	sdelay $0x3  }
0x33: {  	p0 =	seq.s32 s10, $0x1;
	s10 =	sld [smem:$0x3FAD];
	_ =	sdelay $0x3  }
0x34: {  	[smem:$0x3FAD] =	sst s10  }
0x35: {  	s10 =	sld [smem:$0x3FAC];
	_ =	sdelay $0x3  }
0x36: {  	p1 =	seq.s32 s10, $0x1;
	s10 =	sld [smem:$0x3FAD];
	_ =	sdelay $0x3  }
0x37: {  	[smem:$0x3FAD] =	sst s10  }
0x38: {  	s10 =	sld [smem:$0x3FAE]  }
0x39: {  	_ = 	snop;
	(pc) =	sbr.ind lr, $3  }
0x3a: {  	_ = 	snop  }
0x3b: {  	_ = 	snop  }
0x3c: {  	p2 =	seq.s32 s10, $0x1;
	s10 =	sld [smem:$0x3FAD]  }
0x3d: {  	_ =	shalt  }
0x3e: {  	_ =	shalt  }
0x3f: {  	_ =	shalt  }
0x40: {  	_ =	shalt  }
0x41: {  	_ =	shalt  }
0x42: {  	_ =	shalt  }
0x43: {  	_ =	shalt  }
0x44: {  	_ =	shalt  }
0x45: {  	_ =	shalt  }
0x46: {  	_ =	shalt  }
0x47: {  	_ =	shalt  }
0x48: {  	_ =	shalt  }
0x49: {  	_ =	shalt  }
0x4a: {  	_ =	shalt  }
0x4b: {  	_ =	shalt  }
0x4c: {  	_ =	shalt  }
0x4d: {  	_ =	shalt  }
0x4e: {  	_ =	shalt  }
0x4f: {  	_ =	shalt  }
0x50: {  	_ =	shalt  }
0x51: {  	_ =	shalt  }
0x52: {  	_ =	shalt  }
0x53: {  	_ =	shalt  }
0x54: {  	_ =	shalt  }
0x55: {  	_ =	shalt  }
0x56: {  	_ =	shalt  }
0x57: {  	_ =	shalt  }
0x58: {  	_ =	shalt  }
0x59: {  	_ =	shalt  }
0x5a: {  	_ =	shalt  }
0x5b: {  	_ =	shalt  }
0x5c: {  	_ =	shalt  }
0x5d: {  	_ =	shalt  }
0x5e: {  	_ =	shalt  }
0x5f: {  	_ =	shalt  }
0x60: {  	_ =	shalt  }
0x61: {  	_ =	shalt  }
0x62: {  	_ =	shalt  }
0x63: {  	_ =	shalt  }
0x64: {  	_ =	shalt  }
0x65: {  	_ =	shalt  }
0x66: {  	_ =	shalt  }
0x67: {  	_ =	shalt  }
0x68: {  	_ =	shalt  }
0x69: {  	_ =	shalt  }
0x6a: {  	_ =	shalt  }
0x6b: {  	_ =	shalt  }
0x6c: {  	_ =	shalt  }
0x6d: {  	_ =	shalt  }
0x6e: {  	_ =	shalt  }
0x6f: {  	_ =	shalt  }
0x70: {  	_ =	shalt  }
0x71: {  	_ =	shalt  }
0x72: {  	_ =	shalt  }
0x73: {  	_ =	shalt  }
0x74: {  	_ =	shalt  }
0x75: {  	_ =	shalt  }
0x76: {  	_ =	shalt  }
0x77: {  	_ =	shalt  }
0x78: {  	_ =	shalt  }
0x79: {  	_ =	shalt  }
0x7a: {  	_ =	shalt  }
0x7b: {  	_ =	shalt  }
0x7c: {  	_ =	shalt  }
0x7d: {  	_ =	shalt  }
0x7e: {  	_ =	shalt  }
0x7f: {  	_ =	shalt  }
0x80: {  	_ =	shalt  }
0x81: {  	_ =	shalt  }
0x82: {  	_ =	shalt  }
0x83: {  	_ =	shalt  }
0x84: {  	_ =	shalt  }
0x85: {  	_ =	shalt  }
0x86: {  	_ =	shalt  }
0x87: {  	_ =	shalt  }
.Lfunc_end0:
.L_simem_size_0:
called_computation.1_lowered:
.L_overlay_start_0:
0x88: {  	s2 =	sld [smem:$0x3FD9]  }
0x89: {  	s3 =	sld [smem:$0x3FFE];
	_ =	sdelay $0x1  }
0x8a: {  	s1 =	srdreg.scid  }
0x8b: {  	s0 =	sand.u32 $0x1, s1  }
0x8c: {  	s17 =	sshll.u32 s0, $0xA;
	s2 =	sadd.s32 s3, s2  }
0x8d: {  	s2 =	sadd.s32 s2, s17  }
0x8e: {  	[smem:$0x3FB9] =	sst s2  }
0x8f: {  	_ = 	snop  }
0x90: {  	s2 =	sld [smem:$0x3FD0];
	(tm) =	ssettm $0x1  }
0x91: {  	s18 =	sld [smem:$0x3FFB];
	_ =	sdelay $0x3  }
0x92: {  	_ =	strace s18  }
0x93: {  	s3 =	sld [smem:$0x3FFC];
	_ =	sdelay $0x3  }
0x94: {  	_ =	strace s3  }
0x95: {  	s3 =	sld [smem:$0x3FFD];
	_ =	sdelay $0x3  }
0x96: {  	_ =	strace s3  }
0x97: {  	_ =	strace $0x8FFFFFFF  }
0x98: {  	s19 =	sld [smem:$0x3FDB];
	_ =	sdelay $0x1  }
0x99: {  	s4 =	simm.s32 $_scs_section_size  }
0x9a: {  	s5 =	simm.s32 $_size__tile_overlayer_lowered;
	s6 =	simm.s32 $_tile_overlayer_lowered  }
0x9b: {  	s22 =	simm.s32 $0x1BFF;
	s21 =	sshll.u32 s6, $0x1;
	s3 =	sadd.s32 s4, s19  }
0x9c: {  	s7 =	simm.s32 $0x0;
	s20 =	sshll.u32 s5, $0x1;
	s5 =	sadd.s32 s21, s3  }
0x9d: {  	[timem:s7], [sflag:s22] =	dma.local [hbm:s5], s20  }
0x9e: {  	_ =	swait.ge [sflag:s22], s20  }
0x9f: {  	s4 =	ssub.s32 $0x0, s20;
	[sflag:s22] =	ssyncset.done $0x0  }
0xa0: {  	[sflag:s22] =	ssyncadd.s32 s4;
	_ =	sdelay $0x1  }
0xa1: {  	s23 =	simm.s32 $0x1B8B  }
0xa2: {  	_ =	swait.ge [sflag:s23], $0x1  }
0xa3: {  	[sflag:s23] =	ssyncset.done $0x0  }
0xa4: {  	s25 =	simm.s32 $0x1B8E;
	s24 =	sld [smem:$0x3FFE];
	[sflag:s23] =	ssyncadd.s32 $0xFFFFFFFF  }
0xa5: {  	s26 =	simm.s32 $execute0_lowered;
	[smem:$0x3FD2] =	sst s25  }
0xa6: {  	s5 =	sshll.u32 s26, $0x1;
	_ =	strace $0x80000049;
	[dreg:$0x1] =	wrdreg $0xFFFFFFFF  }
0xa7: {  	s28 =	simm.s32 $_size_execute0_lowered;
	s3 =	sadd.s32 s3, s5;
	[dreg:$0x0] =	wrdreg $0x0  }
0xa8: {  	s5 =	sshll.u32 s28, $0x1;
	[dreg:$0x2] =	wrdreg s3  }
0xa9: {  	[dreg:$0x3] =	wrdreg s5  }
0xaa: {  	[dreg:$0x4] =	wrdreg $0xC0  }
0xab: {  	_ =	task [dreg:s7], $0x5FFFF  }
0xac: {  	[dreg:$0x1] =	wrdreg $0xFFFFFFFF  }
0xad: {  	[dreg:$0x0] =	wrdreg $0x60  }
0xae: {  	[dreg:$0x2] =	wrdreg s24  }
0xaf: {  	[dreg:$0x3] =	wrdreg s2  }
0xb0: {  	[dreg:$0x4] =	wrdreg $0x40800  }
0xb1: {  	[dreg:$0x5] =	wrdreg $0x9  }
0xb2: {  	_ =	task.clear_ibuf [dreg:s7], $0x6FFFF;
	_ =	strace $0x90000049  }
0xb3: {  	s29 =	simm.s32 $0x9;
	_ =	strace $0x8000004B  }
0xb4: {  	_ =	swait.ge [sflag:s29], $0x1  }
0xb5: {  	[sflag:s29] =	ssyncadd.s32 $0xFFFFFFFF  }
0xb6: {  	_ =	strace $0x9000004B  }
0xb7: {  	_ =	sfence  }
0xb8: {  	s30 =	sld [smem:$0x0];
	_ =	sdelay $0x2  }
0xb9: {  	s31 =	sshll.u32 s1, $0xD;
	s1 =	sshrl.u32 s1, $0x2  }
0xba: {  	s3 =	sand.u32 $0x4000, s31;
	s1 =	sadd.s32 s1, s30  }
0xbb: {  	s0 =	sor.u32 s3, s0;
	s1 =	sshll.u32 s1, $0x11  }
0xbc: {  	s0 =	sor.u32 s1, s0  }
0xbd: {  	s0 =	sadd.s32 $0x8F2B, s0  }
0xbe: {  	[sflag:s0] =	ssyncadd.remote.s32 $0x1  }
0xbf: {  	_ =	sfence.sel $0xFFFF  }
0xc0: {  	[dreg:$0x0] =	wrdreg $0xFFFFFFFF;
	(pc) =	sbr.abs _section_cstart, $3  }
0xc1: {  	[dreg:$0x1] =	wrdreg $0xFFFFFFFF  }
0xc2: {  	_ =	task.clear_ibuf [dreg:s7], $0x2FFFF;
	_ =	strace $0x9FFFFFFF  }
0xc3: {  	(tm) =	ssettm $0x7FFFFFFF  }
tec
execute0_lowered:
.L_overlay_start_1:
0x0: {  	(tag) =	ssettag $0x1  }
0x1: {  	s8 =	rddreg [dreg:$0x0]  }
0x2: {  	s11 =	rddreg [dreg:$0x1]  }
0x3: {  	s2 =	rddreg [dreg:$0x2]  }
0x4: {  	s0 =	rddreg [dreg:$0x3]  }
0x5: {  	s3 =	simm.s32 $0x0;
	s1 =	stileid.u32;
	s4 =	srdreg.scid  }
0x6: {  	s20 =	simm.s32 $0x80;
	s21 =	simm.s32 $0x0;
	[smem:$0x7FF] =	sst s3  }
0x7: {  	s12 =	smul.u32 $0x13800, s1;
	s16 =	sadd.s32 $0x9CBC00, s8;
	s5 =	sshll.u32 s1, $0x4  }
0x8: {  	s9 =	sand.u32 $0x1, s4;
	s7 =	smul.u32 $0x4E000, s1;
	s26 =	sshll.u32 s1, $0x6  }
0x9: {  	p0 =	slt.u32 s1, $0x2;
	s19 =	sadd.s32 $0x138000, s2;
	s29 =	sshll.u32 s1, $0xE  }
0xa: {  	_ =	strace $0x8000004A;
	s6 =	ssub.s32 $0x2, s9;
	s10 =	smul.u32 $0x271000, s9  }
0xb: {  	s15 =	sadd.s32 s5, s8;
	s17 =	sshllo.u32 s9, $0x1;
	s18 =	smul.u32 $0x2710000, s9  }
0xc: {  	s22 =	sshrl.u32 s12, $0x3;
	s24 =	sshrl.u32 s6, $0x1;
	s25 =	sshrl.u32 s7, $0x2  }
0xd: {  	s7 =	simm.s32 $0x4F;
	s17 =	smul.u32 $0x138800, s17;
	s15 =	sadd.s32 $0x2C00, s15  }
0xe: {  	s23 =	sadd.s32 s22, s8;
	s13 =	ssub.s32 s6, s24;
	s4 =	sadd.s32 s25, s2  }
0xf: {  	s6 =	sor.u32 $0x1C01, s26;
	s8 =	sadd.s32 $0x2EC00, s8;
	s7 =	simm.s32 @!p0 $0x4E  }
0x10: {  	s14 =	sadd.s32 s12, s10;
	s10 =	sshrl.u32 s10, $0x3;
	p0 =	sne.s32 s1, $0xF  }
0x11: {  	s5 =	sadd.s32 $0x7C00, s23;
	s14 =	sshrl.u32 s14, $0x3;
	s10 =	sadd.s32 s11, s10  }
0x12: {  	s12 =	sadd.s32 s12, s17;
	s28 =	sshrl.u32 s17, $0x3;
	s17 =	sadd.s32 s29, s18  }
0x13: {  	s13 =	smax.u32 s13, $0x1;
	s18 =	simm.s32 $0x1;
	s19 =	sshrl.u32 @!p0 s19, $0x3  }
0x14: {  	s9 =	sadd.s32 s11, s14;
	s10 =	sadd.s32 $0x27000, s10;
	s12 =	sshrl.u32 s12, $0x3  }
0x15: {  	s14 =	sadd.s32 s11, s28;
	s30 =	sadd.s32 $0x1388000, s17;
	s17 =	sshrl.u32 s17, $0x3  }
0x16: {  	s11 =	sadd.s32 s11, s12;
	s12 =	sadd.s32 $0x27000, s14;
	s31 =	sshrl.u32 s30, $0x3  }
0x17: {  	s14 =	sadd.s32 s17, s16;
	s17 =	sshrl.u32 s4, $0x3;
	s16 =	sadd.s32 s31, s16  }
.LBB2_1:
0x18: {  	[spmem:s17], [sflag:s6] =	dma.local [hbm:s5], $0x2700  }
0x19: {  	_ =	swait.ge [sflag:s18], $0x2700  }
0x1a: {  	[sflag:s18] =	ssyncset.done $0x0  }
0x1b: {  	s22 =	simm.s32 @!p0 $0x1;
	[sflag:s18] =	ssyncadd.s32 $0xFFFFD900  }
0x1c: {  	[spmem:s19], [sflag:s6] =	dma.local @!p0 [hbm:s8], $0x100  }
0x1d: {  	_ =	swait.ge @!p0 [sflag:s22], $0x100  }
0x1e: {  	[sflag:s22] =	ssyncset.done @!p0 $0x0  }
0x1f: {  	[sflag:s22] =	ssyncadd.s32 @!p0 $0xFFFFFF00  }
0x20: {  	[bflag:$0x0] =	sbarrier.arrive $0xFFFF  }
0x21: {  	[tilespmem:s3], [sflag:$0x1] =	stream.linear.gather [hbm4b:s15+s3], $0x80, $0x38;
	[tilespmem:$0x17900] =	vst v63  }
0x22: {  	_ =	swait.ge [sflag:s18], $0x80  }
0x23: {  	[sflag:s18] =	ssyncset.done $0x0  }
0x24: {  	[sflag:s18] =	ssyncadd.s32 $0xFFFFFF80  }
0x25: {  	[tilespmem:s20], [sflag:$0x1] =	stream.linear.gather [hbm4b:s14+s3], $0x4000, $0x38;
	[tilespmem:$0x17900] =	vst v63  }
0x26: {  	p1 =	sne.s32 s7, $0x1;
	_ =	swait.ge [sflag:s18], $0x4000  }
.Ltmp0:
0x27: {  	[sflag:s18] =	ssyncset.done $0x0;
	(pc) =	sbr.rel @!p1 .LBB2_3-.Ltmp0, $4  }
0x28: {  	[sflag:s18] =	ssyncadd.s32 $0xFFFFC000  }
0x29: {  	[spmem:s2] =	stream.indirect.scatter.add.f32 [tilespmem:s20], [sflag:$0x1], $0x80, s3, s20, $0xb8;
	[tilespmem:$0x17900] =	vst v63  }
0x2a: {  	s23 =	sadd.s32 $0xFFFFFFFF, s7;
	_ =	swait.ge [sflag:s18], $0x4000  }
0x2b: {  	s24 =	smov.u32 s14;
	s25 =	smov.u32 s15;
	[sflag:s18] =	ssyncset.done $0x0  }
.LBB2_2:
0x2c: {  	[sflag:s18] =	ssyncadd.s32 $0xFFFFC000;
	s24 =	sadd.s32 $0x8000, s24;
	s25 =	sadd.s32 $0x100, s25  }
0x2d: {  	[tilespmem:s3], [sflag:$0x1] =	stream.linear.gather [hbm4b:s25+s3], $0x80, $0x38;
	[tilespmem:$0x17900] =	vst v63  }
0x2e: {  	p2 =	sne.s32 s23, $0x1;
	s23 =	sadd.s32 $0xFFFFFFFF, s23;
	_ =	swait.ge [sflag:s18], $0x80  }
0x2f: {  	[sflag:s18] =	ssyncset.done $0x0  }
0x30: {  	[sflag:s18] =	ssyncadd.s32 $0xFFFFFF80  }
0x31: {  	[tilespmem:s20], [sflag:$0x1] =	stream.linear.gather [hbm4b:s24+s3], $0x4000, $0x38;
	[tilespmem:$0x17900] =	vst v63  }
0x32: {  	_ =	swait.ge [sflag:s18], $0x4000  }
.Ltmp1:
0x33: {  	[sflag:s18] =	ssyncset.done $0x0;
	(pc) =	sbr.rel @p2 .LBB2_2-.Ltmp1, $4  }
0x34: {  	[sflag:s18] =	ssyncadd.s32 $0xFFFFC000  }
0x35: {  	[spmem:s2] =	stream.indirect.scatter.add.f32 [tilespmem:s20], [sflag:$0x1], $0x80, s3, s20, $0xb8;
	[tilespmem:$0x17900] =	vst v63  }
0x36: {  	_ =	swait.ge [sflag:s18], $0x4000  }
0x37: {  	[sflag:s18] =	ssyncset.done $0x0  }
.LBB2_3:
0x38: {  	[sflag:s18] =	ssyncadd.s32 $0xFFFFC000  }
0x39: {  	[bflag:$0x0] =	sbarrier.arrive $0xFFFF  }
0x3a: {  	[hbm:s9], [sflag:s6] =	dma.local [spmem:s17], $0x2700  }
0x3b: {  	_ =	swait.ge [sflag:s18], $0x2700  }
0x3c: {  	[sflag:s18] =	ssyncset.done $0x0  }
0x3d: {  	[sflag:s18] =	ssyncadd.s32 $0xFFFFD900  }
0x3e: {  	s23 =	sshrl.u32 @p0 s4, $0x3;
	[bflag:$0x0] =	sbarrier.arrive @p0 $0xFFFF  }
0x3f: {  	[spmem:s23], [sflag:s6] =	dma.local @p0 [hbm:s5], $0x2700  }
0x40: {  	s23 =	simm.s32 @p0 $0x1  }
0x41: {  	_ =	swait.ge @p0 [sflag:s23], $0x2700  }
0x42: {  	[sflag:s23] =	ssyncset.done @p0 $0x0  }
0x43: {  	[sflag:s23] =	ssyncadd.s32 @p0 $0xFFFFD900  }
0x44: {  	[hbm:s10], [sflag:s6] =	dma.local @!p0 [spmem:s19], $0x100  }
0x45: {  	_ =	swait.ge @!p0 [sflag:s22], $0x100  }
0x46: {  	[sflag:s22] =	ssyncset.done @!p0 $0x0  }
0x47: {  	[sflag:s22] =	ssyncadd.s32 @!p0 $0xFFFFFF00  }
0x48: {  	s23 =	sshrl.u32 @!p0 s4, $0x3;
	[bflag:$0x0] =	sbarrier.arrive @!p0 $0xFFFF  }
0x49: {  	[spmem:s23], [sflag:s6] =	dma.local @!p0 [hbm:s5], $0x2700  }
0x4a: {  	_ =	swait.ge @!p0 [sflag:s22], $0x2700  }
0x4b: {  	[sflag:s22] =	ssyncset.done @!p0 $0x0  }
0x4c: {  	[sflag:s22] =	ssyncadd.s32 @!p0 $0xFFFFD900  }
0x4d: {  	[spmem:s19], [sflag:s6] =	dma.local @!p0 [hbm:s8], $0x100  }
0x4e: {  	_ =	swait.ge @!p0 [sflag:s22], $0x100  }
0x4f: {  	[sflag:s22] =	ssyncset.done @!p0 $0x0  }
0x50: {  	[sflag:s22] =	ssyncadd.s32 @!p0 $0xFFFFFF00  }
0x51: {  	[bflag:$0x0] =	sbarrier.arrive $0xFFFF  }
0x52: {  	[tilespmem:s3], [sflag:$0x1] =	stream.linear.gather [hbm4b:s15+s3], $0x80, $0x38;
	[tilespmem:$0x17900] =	vst v63  }
0x53: {  	_ =	swait.ge [sflag:s18], $0x80  }
0x54: {  	[sflag:s18] =	ssyncset.done $0x0  }
0x55: {  	[sflag:s18] =	ssyncadd.s32 $0xFFFFFF80  }
0x56: {  	[tilespmem:s20], [sflag:$0x1] =	stream.linear.gather [hbm4b:s16+s3], $0x4000, $0x38;
	[tilespmem:$0x17900] =	vst v63  }
0x57: {  	_ =	swait.ge [sflag:s18], $0x4000  }
.Ltmp2:
0x58: {  	[sflag:s18] =	ssyncset.done $0x0;
	(pc) =	sbr.rel @!p1 .LBB2_5-.Ltmp2, $4  }
0x59: {  	[sflag:s18] =	ssyncadd.s32 $0xFFFFC000  }
0x5a: {  	[spmem:s2] =	stream.indirect.scatter.add.f32 [tilespmem:s20], [sflag:$0x1], $0x80, s3, s20, $0xb8;
	[tilespmem:$0x17900] =	vst v63  }
0x5b: {  	s24 =	smov.u32 s15;
	_ =	swait.ge [sflag:s18], $0x4000  }
0x5c: {  	s23 =	smov.u32 s16;
	s22 =	sadd.s32 $0xFFFFFFFF, s7;
	[sflag:s18] =	ssyncset.done $0x0  }
.LBB2_4:
0x5d: {  	[sflag:s18] =	ssyncadd.s32 $0xFFFFC000;
	s23 =	sadd.s32 $0x8000, s23;
	s24 =	sadd.s32 $0x100, s24  }
0x5e: {  	[tilespmem:s3], [sflag:$0x1] =	stream.linear.gather [hbm4b:s24+s3], $0x80, $0x38;
	[tilespmem:$0x17900] =	vst v63  }
0x5f: {  	p1 =	sne.s32 s22, $0x1;
	s22 =	sadd.s32 $0xFFFFFFFF, s22;
	_ =	swait.ge [sflag:s18], $0x80  }
0x60: {  	[sflag:s18] =	ssyncset.done $0x0  }
0x61: {  	[sflag:s18] =	ssyncadd.s32 $0xFFFFFF80  }
0x62: {  	[tilespmem:s20], [sflag:$0x1] =	stream.linear.gather [hbm4b:s23+s3], $0x4000, $0x38;
	[tilespmem:$0x17900] =	vst v63  }
0x63: {  	_ =	swait.ge [sflag:s18], $0x4000  }
.Ltmp3:
0x64: {  	[sflag:s18] =	ssyncset.done $0x0;
	(pc) =	sbr.rel @p1 .LBB2_4-.Ltmp3, $4  }
0x65: {  	[sflag:s18] =	ssyncadd.s32 $0xFFFFC000  }
0x66: {  	[spmem:s2] =	stream.indirect.scatter.add.f32 [tilespmem:s20], [sflag:$0x1], $0x80, s3, s20, $0xb8;
	[tilespmem:$0x17900] =	vst v63  }
0x67: {  	_ =	swait.ge [sflag:s18], $0x4000  }
0x68: {  	[sflag:s18] =	ssyncset.done $0x0  }
.LBB2_5:
0x69: {  	[sflag:s18] =	ssyncadd.s32 $0xFFFFC000  }
0x6a: {  	[bflag:$0x0] =	sbarrier.arrive $0xFFFF  }
0x6b: {  	[hbm:s11], [sflag:s6] =	dma.local [spmem:s17], $0x2700  }
0x6c: {  	_ =	swait.ge [sflag:s18], $0x2700  }
0x6d: {  	s21 =	sadd.s32 $0x1, s21;
	[sflag:s18] =	ssyncset.done $0x0  }
0x6e: {  	s22 =	simm.s32 @!p0 $0x1;
	p1 =	sne.s32 s21, s13;
	[sflag:s18] =	ssyncadd.s32 $0xFFFFD900  }
0x6f: {  	[hbm:s12], [sflag:s6] =	dma.local @!p0 [spmem:s19], $0x100  }
.Ltmp4:
0x70: {  	_ =	swait.ge @!p0 [sflag:s22], $0x100;
	(pc) =	sbr.rel @p1 .LBB2_1-.Ltmp4, $3  }
0x71: {  	[sflag:s22] =	ssyncset.done @!p0 $0x0  }
0x72: {  	[sflag:s22] =	ssyncadd.s32 @!p0 $0xFFFFFF00  }
0x73: {  	[bflag:$0x0] =	sbarrier.arrive $0xFFFF;
	_ =	sdelay $0x1  }
0x74: {  	_ =	sfence.sel $0x180000  }
0x75: {  	[bflag:$0x0] =	sbarrier.arrive $0xFFFF  }
0x76: {  	p0 =	sne.s32 s1, $0x0;
	_ =	strace $0x9000004A  }
0x77: {  	s0 =	sadd.s32 @!p0 $0x100000, s0;
	[bflag:$0x2] =	sbarrier.arrive $0xFFFF  }
0x78: {  	[sflag:s0] =	ssyncadd.tile.s32 @!p0 $0x1;
	_ =	shalt  }
.Lfunc_end2:
_tile_overlayer_lowered:
.L_overlay_start_2:
0x79: {  	(tag) =	ssettag $0x2  }
0x7a: {  	s0 =	rddreg [dreg:$0x0];
	s2 =	stileid.u32  }
0x7b: {  	s1 =	rddreg [dreg:$0x1];
	p0 =	sne.s32 s2, $0x0  }
0x7c: {  	s3 =	rddreg [dreg:$0x2];
	[bflag:$0x3] =	sbarrier.arrive $0xFFFF;
	s2 =	simm.s32 @!p0 $0x1C01  }
0x7d: {  	[timem:s3], [sflag:s2] =	dma.local @!p0 [hbm:s0], s1  }
0x7e: {  	s0 =	simm.s32 @!p0 $0x1  }
0x7f: {  	_ =	swait.ge @!p0 [sflag:s0], s1  }
0x80: {  	s1 =	ssub.s32 @!p0 $0x0, s1;
	[sflag:s0] =	ssyncset.done @!p0 $0x0  }
0x81: {  	[sflag:s0] =	ssyncadd.s32 @!p0 s1  }
0x82: {  	[bflag:$0x3] =	sbarrier.arrive $0xFFFF  }
0x83: {  	_ =	shalt  }

</sc_bundles>
